<compile_context>
chip_gen: v7x
topology: tpu7x:2x2x1
jax: 0.10.2.dev20260603
libtpu: 0.0.44.dev20260713+nightly
codegen_flags: <defaults>
</compile_context>

<pallas_src>
import functools

import jax
import jax.numpy as jnp
from jax import lax
from jax.experimental import pallas as pl
from jax.experimental.pallas import tpu as pltpu
from jax.experimental.pallas import tpu_sc as plsc

NC = 2
NS = 16
NW = NC * NS

_N = 10000
_E = 320000
_D = 128
_K1 = 5000
_K2 = 2500
_NP1 = 10112


def _mesh():
    return plsc.VectorSubcoreMesh(core_axis_name="c", subcore_axis_name="s")


def _make_segsum(n_out, chunk, gather_flags):
    e_s = _E // NS
    n_iter = e_s // chunk
    stripe = n_out // NS

    @functools.partial(
        pl.kernel,
        mesh=_mesh(),
        out_type=[
            jax.ShapeDtypeStruct((n_out, _D), jnp.float32),
            jax.ShapeDtypeStruct((n_out, _D), jnp.float32),
        ],
        scratch_types=[
            pltpu.VMEM((chunk,), jnp.int32),
            pltpu.VMEM((chunk,), jnp.int32),
            pltpu.VMEM((chunk, _D), jnp.float32),
            pltpu.VMEM_SHARED((n_out, _D), jnp.float32),
            pltpu.SemaphoreType.DMA,
        ],
    )
    def seg(x_hbm, flag_hbm, src_hbm, dst_hbm, zblk_hbm, ones_hbm,
            agg_hbm, cnt_hbm, idx_s, idx_d, rows, shared, sem):
        cid = lax.axis_index("c")
        sid = lax.axis_index("s")
        pltpu.sync_copy(zblk_hbm, shared.at[pl.ds(sid * stripe, stripe)])
        plsc.subcore_barrier()

        base = sid * e_s

        def mkbody(table, do_gather):
            def body(i, carry):
                off = base + i * chunk
                if do_gather:
                    pltpu.sync_copy(src_hbm.at[pl.ds(off, chunk)], idx_s)
                pltpu.sync_copy(dst_hbm.at[pl.ds(off, chunk)], idx_d)
                if do_gather:
                    pltpu.async_copy(table.at[idx_s], rows, sem).wait()
                pltpu.sync_copy(rows, shared.at[idx_d], add=True)
                return carry
            return body

        @pl.when(cid == 0)
        def _():
            lax.fori_loop(0, n_iter, mkbody(x_hbm, True), 0)

        @pl.when(cid == 1)
        def _():
            if not gather_flags:
                pltpu.sync_copy(ones_hbm, rows)
            lax.fori_loop(0, n_iter, mkbody(flag_hbm, gather_flags), 0)

        plsc.subcore_barrier()

        @pl.when(cid == 0)
        def _():
            pltpu.sync_copy(shared.at[pl.ds(sid * stripe, stripe)],
                            agg_hbm.at[pl.ds(sid * stripe, stripe)])

        @pl.when(cid == 1)
        def _():
            pltpu.sync_copy(shared.at[pl.ds(sid * stripe, stripe)],
                            cnt_hbm.at[pl.ds(sid * stripe, stripe)])

    return seg


def _make_gather(b_total):
    b_w = b_total // NW
    sub = 80
    n_sub = b_w // sub

    @functools.partial(
        pl.kernel,
        mesh=_mesh(),
        out_type=jax.ShapeDtypeStruct((b_total, _D), jnp.float32),
        scratch_types=[
            pltpu.VMEM((sub,), jnp.int32),
            pltpu.VMEM((sub, _D), jnp.float32),
            pltpu.SemaphoreType.DMA,
        ],
    )
    def g(table_hbm, idx_hbm, out_hbm, idx_v, rows, sem):
        cid = lax.axis_index("c")
        sid = lax.axis_index("s")
        wid = sid * NC + cid
        base = wid * b_w
        for h in range(n_sub):
            off = base + h * sub
            pltpu.sync_copy(idx_hbm.at[pl.ds(off, sub)], idx_v)
            pltpu.async_copy(table_hbm.at[idx_v], rows, sem).wait()
            pltpu.sync_copy(rows, out_hbm.at[pl.ds(off, sub)])

    return g


def _dense_body(agg, cnt, x, Wl, bl, Wr, p, km, xo_ref, sc_ref):
    c = cnt[...][:, 0]
    mean = agg[...] / jnp.maximum(c, 1.0)[:, None]
    h = (jnp.dot(mean, Wl[...].T, preferred_element_type=jnp.float32)
         + bl[...][None, :]
         + jnp.dot(x[...], Wr[...].T, preferred_element_type=jnp.float32))
    xo = jnp.maximum(h, 0.0)
    xo_ref[...] = xo
    pv = p[...]
    ph = pv * lax.rsqrt(jnp.sum(pv * pv))
    s = jnp.tanh(jnp.sum(xo * ph[None, :], axis=1, keepdims=True))
    sc_ref[...] = jnp.where(km[...] > 0.0, s, jnp.float32(-3.0e38))


def _dense(agg, cnt, x, Wl, bl, Wr, p, km, n):
    return pl.pallas_call(
        _dense_body,
        out_shape=[
            jax.ShapeDtypeStruct((n, _D), jnp.float32),
            jax.ShapeDtypeStruct((n, 1), jnp.float32),
        ],
    )(agg, cnt, x, Wl, bl, Wr, p, km)


def _mscale_body(x1, vext, kmask, xp_ref, kf_ref):
    xp_ref[...] = x1[...] * vext[...]
    kf_ref[...] = kmask[...] * jnp.ones((1, _D), jnp.float32)


def _mscale(x1, vext, kmask):
    n = x1.shape[0]
    return pl.pallas_call(
        _mscale_body,
        out_shape=[
            jax.ShapeDtypeStruct((n, _D), jnp.float32),
            jax.ShapeDtypeStruct((n, _D), jnp.float32),
        ],
    )(x1, vext, kmask)


def _final_body(xp1, km, xg2, v2, o_ref):
    big_neg = jnp.float32(-3.0e38)
    x1 = xp1[...]
    mx1 = jnp.max(jnp.where(km[...] > 0.0, x1, big_neg), axis=0)
    mn1 = jnp.sum(x1, axis=0) / jnp.float32(_K1)
    xp2 = xg2[...] * v2[...]
    rid = lax.broadcasted_iota(jnp.int32, xp2.shape, 0)
    m = rid < _K2
    mx2 = jnp.max(jnp.where(m, xp2, big_neg), axis=0)
    mn2 = jnp.sum(jnp.where(m, xp2, 0.0), axis=0) / jnp.float32(_K2)
    o_ref[:, 0:_D] = mx1[None, :]
    o_ref[:, _D:2 * _D] = mn1[None, :]
    o_ref[:, 2 * _D:3 * _D] = mx2[None, :]
    o_ref[:, 3 * _D:4 * _D] = mn2[None, :]


def _final(xp1, km, xg2, v2):
    return pl.pallas_call(
        _final_body,
        out_shape=jax.ShapeDtypeStruct((1, 4 * _D), jnp.float32),
    )(xp1, km, xg2, v2)


def _pad_i32(a, n):
    return jnp.concatenate([a, jnp.zeros((n - a.shape[0],), jnp.int32)])


def kernel(x, edge_index, edge_weight, batch, Wl1, bl1, Wr1, Wl2, bl2, Wr2,
           p1, p2):
    src = edge_index[0]
    dst = edge_index[1]

    seg1 = _make_segsum(_NP1, 80, gather_flags=False)
    seg2 = _make_segsum(_NP1, 80, gather_flags=True)
    g2 = _make_gather(2560)

    zb = jnp.zeros((_NP1 // NS, _D), jnp.float32)
    ones_c = jnp.ones((80, _D), jnp.float32)
    ones_km = jnp.ones((_NP1, 1), jnp.float32)

    xpad = jnp.concatenate([x, jnp.zeros((_NP1 - _N, _D), jnp.float32)])

    agg1, cnt1 = seg1(xpad, xpad, src, dst, zb, ones_c)
    x1, s1 = _dense(agg1, cnt1, xpad, Wl1, bl1, Wr1, p1, ones_km, _NP1)

    vals1, perm1 = lax.top_k(s1[:_N, 0], _K1)
    vext = jnp.zeros((_NP1,), jnp.float32).at[perm1].set(vals1)
    kmask = jnp.zeros((_NP1,), jnp.float32).at[perm1].set(1.0)
    xp1e, kflag = _mscale(x1, vext[:, None], kmask[:, None])

    agg2, cnt2 = seg2(xp1e, kflag, src, dst, zb, ones_c)
    x2, s2 = _dense(agg2, cnt2, xp1e, Wl2, bl2, Wr2, p2, kmask[:, None],
                    _NP1)

    vals2, perm2 = lax.top_k(s2[:_N, 0], _K2)
    xg2 = g2(x2, _pad_i32(perm2, 2560))

    v2 = jnp.concatenate([vals2, jnp.zeros((60,), jnp.float32)])
    return _final(xp1e[:_N], kmask[:_N, None], xg2, v2[:, None])

# --- scband reference (transcript-rebuilt; emitter-appended) ---
"""Pipeline reference for scband-gnn-pooling-backbone-3161095930381 (READ-ONLY COPY).

The authoritative reference and input builder live on the scoring server;
editing this copy changes nothing except your own understanding.
"""

import jax, jax.numpy as jnp
import numpy as np

N = 10000
E = 320000
D = 128
H = 128
O = 128


def setup_inputs(seed: int = 0) -> dict:
    key = jax.random.key(seed)
    ks = jax.random.split(key, 12)
    inp = {}
    inp["x"] = jax.random.normal(ks[0], (N, D), dtype=jnp.float32)
    inp["edge_index"] = jax.random.randint(ks[1], (2, E), 0, N, dtype=jnp.int32)
    inp["edge_weight"] = jax.random.uniform(ks[2], (E,), dtype=jnp.float32)
    inp["batch"] = jnp.zeros((N,), dtype=jnp.int32)
    s = 1.0 / np.sqrt(D)
    sh = 1.0 / np.sqrt(H)
    inp["Wl1"] = jax.random.normal(ks[3], (H, D), dtype=jnp.float32) * s
    inp["bl1"] = jnp.zeros((H,), dtype=jnp.float32)
    inp["Wr1"] = jax.random.normal(ks[4], (H, D), dtype=jnp.float32) * s
    inp["Wl2"] = jax.random.normal(ks[5], (O, H), dtype=jnp.float32) * sh
    inp["bl2"] = jnp.zeros((O,), dtype=jnp.float32)
    inp["Wr2"] = jax.random.normal(ks[6], (O, H), dtype=jnp.float32) * sh
    inp["p1"] = jax.random.normal(ks[7], (H,), dtype=jnp.float32) * sh
    inp["p2"] = jax.random.normal(ks[8], (O,), dtype=jnp.float32) * sh
    return inp


def _sage(x, src, dst, emask, Wl, bl, Wr, n):
    # SAGEConv: lin_l(mean_{j in N(i)} x_j) + lin_r(x_i)
    msg = x[src] * emask[:, None]
    agg = jax.ops.segment_sum(msg, dst, num_segments=n)
    cnt = jax.ops.segment_sum(emask, dst, num_segments=n)
    mean = agg / jnp.maximum(cnt, 1.0)[:, None]
    return mean @ Wl.T + bl + x @ Wr.T


def _topk_pool(x, src, dst, emask, p, ratio, n):
    # TopKPooling: score = tanh(x.p/||p||); keep top ceil(ratio*n); x' = x[perm]*score[perm]
    score = jnp.tanh(x @ p / jnp.linalg.norm(p))
    k = int(np.ceil(ratio * n))
    vals, perm = jax.lax.top_k(score, k)
    xp = x[perm] * vals[:, None]
    newpos = jnp.full((n,), -1, dtype=jnp.int32).at[perm].set(jnp.arange(k, dtype=jnp.int32))
    s2 = newpos[src]
    d2 = newpos[dst]
    m2 = emask * ((s2 >= 0) & (d2 >= 0)).astype(x.dtype)
    return xp, jnp.maximum(s2, 0), jnp.maximum(d2, 0), m2, perm, k


def _gmp(x, b):
    return jax.ops.segment_max(x, b, num_segments=1)


def _gap(x, b):
    s = jax.ops.segment_sum(x, b, num_segments=1)
    c = jax.ops.segment_sum(jnp.ones((x.shape[0],), x.dtype), b, num_segments=1)
    return s / c[:, None]


def reference(x, edge_index, edge_weight, batch, Wl1, bl1, Wr1, Wl2, bl2, Wr2, p1, p2):
    src, dst = edge_index[0], edge_index[1]
    emask = jnp.ones((src.shape[0],), x.dtype)
    x1 = jax.nn.relu(_sage(x, src, dst, emask, Wl1, bl1, Wr1, N))
    x1, src, dst, emask, perm1, k1 = _topk_pool(x1, src, dst, emask, p1, 0.5, N)
    b1 = batch[perm1]
    x2 = jax.nn.relu(_sage(x1, src, dst, emask, Wl2, bl2, Wr2, k1))
    x2, src2, dst2, emask2, perm2, k2 = _topk_pool(x2, src, dst, emask, p2, 0.5, k1)
    b2 = b1[perm2]
    out = jnp.concatenate([_gmp(x1, b1), _gap(x1, b1), _gmp(x2, b2), _gap(x2, b2)], axis=1)
    return out

if __name__ == "__main__":
    import jax
    _d = setup_inputs()
    print(jax.jit(kernel)(*tuple(_d.values())))

</pallas_src>

<mosaic_0001>
#map = affine_map<(d0, d1) -> (0, 0)>
#map1 = affine_map<(d0, d1) -> (0)>
module attributes {stable_mosaic.version = 14 : i64} {
  func.func @seg(%arg0: i32, %arg1: i32, %arg2: memref<10112x128xf32, #tpu.memory_space<hbm>>, %arg3: memref<10112x128xf32, #tpu.memory_space<hbm>>, %arg4: memref<320000xi32, #tpu.memory_space<hbm>>, %arg5: memref<320000xi32, #tpu.memory_space<hbm>>, %arg6: memref<632x128xf32, #tpu.memory_space<hbm>>, %arg7: memref<80x128xf32, #tpu.memory_space<hbm>>, %arg8: memref<10112x128xf32, #tpu.memory_space<hbm>>, %arg9: memref<10112x128xf32, #tpu.memory_space<hbm>>, %arg10: memref<80xi32, #tpu.memory_space<vmem>>, %arg11: memref<80xi32, #tpu.memory_space<vmem>>, %arg12: memref<80x128xf32, #tpu.memory_space<vmem>>, %arg13: memref<10112x128xf32, #tpu.memory_space<vmem_shared>>, %arg14: memref<!tpu.dma_semaphore, #tpu.memory_space<semaphore_mem>>) attributes {dimension_semantics = [#tpu.dimension_semantics<core_parallel>, #tpu.dimension_semantics<subcore_parallel>], iteration_bounds = array<i64: 2, 16>, scalar_prefetch = 0 : i64, scratch_operands = 5 : i64, tpu.core_type = #tpu.core_type<sc_vector_subcore>, window_params = [{transform_indices = #map}, {transform_indices = #map}, {transform_indices = #map1}, {transform_indices = #map1}, {transform_indices = #map}, {transform_indices = #map}, {transform_indices = #map}, {transform_indices = #map}]} {
    %mul3A = arith.constant 632 : i32
    %mul3A_0 = arith.muli %arg1, %mul3A : i32
    "tpu.region"() ({
      %run_scoped3A = tpu.sem_alloc : memref<!tpu.dma_semaphore, #tpu.memory_space<semaphore_mem>>
      %dma_start3A = arith.constant 0 : i32
      %dma_start3A_21 = tpu.memref_slice %arg13[%mul3A_0, %dma_start3A] : memref<10112x128xf32, #tpu.memory_space<vmem_shared>> -> memref<632x128xf32, #tpu.memory_space<vmem_shared>>
      tpu.enqueue_dma source(%arg6 : memref<632x128xf32, #tpu.memory_space<hbm>>) target(%dma_start3A_21 : memref<632x128xf32, #tpu.memory_space<vmem_shared>>) target_semaphore(%run_scoped3A : memref<!tpu.dma_semaphore, #tpu.memory_space<semaphore_mem>>)
      %dma_wait3A = arith.constant 0 : i32
      %dma_wait3A_22 = tpu.memref_slice %arg13[%mul3A_0, %dma_wait3A] : memref<10112x128xf32, #tpu.memory_space<vmem_shared>> -> memref<632x128xf32, #tpu.memory_space<vmem_shared>>
      tpu.wait_dma2 semaphore(%run_scoped3A : memref<!tpu.dma_semaphore, #tpu.memory_space<semaphore_mem>>) src(%arg6 : memref<632x128xf32, #tpu.memory_space<hbm>>) dst(%dma_wait3A_22 : memref<632x128xf32, #tpu.memory_space<vmem_shared>>)
      tpu.yield
    }) : () -> ()
    %barrier3A = arith.constant 0 : index
    tpu.barrier barrier_id(%barrier3A)
    %mul3A_1 = arith.constant 20000 : i32
    %mul3A_2 = arith.muli %arg1, %mul3A_1 : i32
    %eq3A = arith.constant 0 : i32
    %eq3A_3 = arith.cmpi eq, %arg0, %eq3A : i32
    %convert_element_type3A = arith.extui %eq3A_3 : i1 to i32
    %cond3A = arith.constant 0 : i32
    %cond3A_4 = arith.cmpi ne, %convert_element_type3A, %cond3A : i32
    scf.if %cond3A_4 {
      %scan3A = arith.constant 0 : i32
      %scan3A_21 = arith.constant 0 : i32
      %scan3A_22 = arith.constant 250 : i32
      %scan3A_23 = arith.addi %scan3A_21, %scan3A_22 : i32
      %scan3A_24 = arith.constant 1 : i32
      scf.for %scan3A_26 = %scan3A_21 to %scan3A_23 step %scan3A_24  : i32 {
        %mul3A_27 = arith.constant 80 : i32
        %mul3A_28 = arith.muli %scan3A_26, %mul3A_27 : i32
        %add3A = arith.addi %mul3A_2, %mul3A_28 : i32
        "tpu.region"() ({
          %run_scoped3A = tpu.sem_alloc : memref<!tpu.dma_semaphore, #tpu.memory_space<semaphore_mem>>
          %dma_start3A_33 = tpu.memref_slice %arg4[%add3A] : memref<320000xi32, #tpu.memory_space<hbm>> -> memref<80xi32, #tpu.memory_space<hbm>>
          %dma_start3A_34 = tpu.memref_slice %arg4[%add3A] : memref<320000xi32, #tpu.memory_space<hbm>> -> memref<80xi32, #tpu.memory_space<hbm>>
          tpu.enqueue_dma source(%dma_start3A_34 : memref<80xi32, #tpu.memory_space<hbm>>) target(%arg10 : memref<80xi32, #tpu.memory_space<vmem>>) target_semaphore(%run_scoped3A : memref<!tpu.dma_semaphore, #tpu.memory_space<semaphore_mem>>)
          %dma_wait3A_35 = tpu.memref_slice %arg4[%add3A] : memref<320000xi32, #tpu.memory_space<hbm>> -> memref<80xi32, #tpu.memory_space<hbm>>
          %dma_wait3A_36 = tpu.memref_slice %arg4[%add3A] : memref<320000xi32, #tpu.memory_space<hbm>> -> memref<80xi32, #tpu.memory_space<hbm>>
          tpu.wait_dma2 semaphore(%run_scoped3A : memref<!tpu.dma_semaphore, #tpu.memory_space<semaphore_mem>>) src(%dma_wait3A_36 : memref<80xi32, #tpu.memory_space<hbm>>) dst(%arg10 : memref<80xi32, #tpu.memory_space<vmem>>)
          tpu.yield
        }) : () -> ()
        "tpu.region"() ({
          %run_scoped3A = tpu.sem_alloc : memref<!tpu.dma_semaphore, #tpu.memory_space<semaphore_mem>>
          %dma_start3A_33 = tpu.memref_slice %arg5[%add3A] : memref<320000xi32, #tpu.memory_space<hbm>> -> memref<80xi32, #tpu.memory_space<hbm>>
          %dma_start3A_34 = tpu.memref_slice %arg5[%add3A] : memref<320000xi32, #tpu.memory_space<hbm>> -> memref<80xi32, #tpu.memory_space<hbm>>
          tpu.enqueue_dma source(%dma_start3A_34 : memref<80xi32, #tpu.memory_space<hbm>>) target(%arg11 : memref<80xi32, #tpu.memory_space<vmem>>) target_semaphore(%run_scoped3A : memref<!tpu.dma_semaphore, #tpu.memory_space<semaphore_mem>>)
          %dma_wait3A_35 = tpu.memref_slice %arg5[%add3A] : memref<320000xi32, #tpu.memory_space<hbm>> -> memref<80xi32, #tpu.memory_space<hbm>>
          %dma_wait3A_36 = tpu.memref_slice %arg5[%add3A] : memref<320000xi32, #tpu.memory_space<hbm>> -> memref<80xi32, #tpu.memory_space<hbm>>
          tpu.wait_dma2 semaphore(%run_scoped3A : memref<!tpu.dma_semaphore, #tpu.memory_space<semaphore_mem>>) src(%dma_wait3A_36 : memref<80xi32, #tpu.memory_space<hbm>>) dst(%arg11 : memref<80xi32, #tpu.memory_space<vmem>>)
          tpu.yield
        }) : () -> ()
        %dma_start3A = arith.constant 0 : i32
        %dma_start3A_29 = arith.constant 0 : i32
        %dma_start3A_30 = tpu.memref_slice %arg2[%dma_start3A, %dma_start3A_29] : memref<10112x128xf32, #tpu.memory_space<hbm>> -> memref<10112x128xf32, #tpu.memory_space<hbm>>
        tpu.enqueue_indirect_dma source(%dma_start3A_30 : memref<10112x128xf32, #tpu.memory_space<hbm>>) target(%arg12 : memref<80x128xf32, #tpu.memory_space<vmem>>) offsets(%arg10 : memref<80xi32, #tpu.memory_space<vmem>>) semaphore(%arg14 : memref<!tpu.dma_semaphore, #tpu.memory_space<semaphore_mem>>)
        %dma_wait3A = arith.constant 0 : i32
        %dma_wait3A_31 = arith.constant 0 : i32
        %dma_wait3A_32 = tpu.memref_slice %arg2[%dma_wait3A, %dma_wait3A_31] : memref<10112x128xf32, #tpu.memory_space<hbm>> -> memref<10112x128xf32, #tpu.memory_space<hbm>>
        tpu.wait_indirect_dma semaphore(%arg14 : memref<!tpu.dma_semaphore, #tpu.memory_space<semaphore_mem>>) src(%dma_wait3A_32 : memref<10112x128xf32, #tpu.memory_space<hbm>>) dst(%arg12 : memref<80x128xf32, #tpu.memory_space<vmem>>)
        "tpu.region"() ({
          %run_scoped3A = tpu.sem_alloc : memref<!tpu.dma_semaphore, #tpu.memory_space<semaphore_mem>>
          %dma_start3A_33 = arith.constant 0 : i32
          %dma_start3A_34 = arith.constant 0 : i32
          %dma_start3A_35 = tpu.memref_slice %arg13[%dma_start3A_33, %dma_start3A_34] : memref<10112x128xf32, #tpu.memory_space<vmem_shared>> -> memref<10112x128xf32, #tpu.memory_space<vmem_shared>>
          tpu.enqueue_indirect_dma source(%arg12 : memref<80x128xf32, #tpu.memory_space<vmem>>) target(%dma_start3A_35 : memref<10112x128xf32, #tpu.memory_space<vmem_shared>>) offsets(%arg11 : memref<80xi32, #tpu.memory_space<vmem>>) semaphore(%run_scoped3A : memref<!tpu.dma_semaphore, #tpu.memory_space<semaphore_mem>>) {add = true}
          %dma_wait3A_36 = arith.constant 0 : i32
          %dma_wait3A_37 = arith.constant 0 : i32
          %dma_wait3A_38 = tpu.memref_slice %arg13[%dma_wait3A_36, %dma_wait3A_37] : memref<10112x128xf32, #tpu.memory_space<vmem_shared>> -> memref<10112x128xf32, #tpu.memory_space<vmem_shared>>
          tpu.wait_indirect_dma semaphore(%run_scoped3A : memref<!tpu.dma_semaphore, #tpu.memory_space<semaphore_mem>>) src(%arg12 : memref<80x128xf32, #tpu.memory_space<vmem>>) dst(%dma_wait3A_38 : memref<10112x128xf32, #tpu.memory_space<vmem_shared>>)
          tpu.yield
        }) : () -> ()
      }
      %scan3A_25 = arith.constant 250 : i32
    } else {
    }
    %eq3A_5 = arith.constant 1 : i32
    %eq3A_6 = arith.cmpi eq, %arg0, %eq3A_5 : i32
    %convert_element_type3A_7 = arith.extui %eq3A_6 : i1 to i32
    %cond3A_8 = arith.constant 0 : i32
    %cond3A_9 = arith.cmpi ne, %convert_element_type3A_7, %cond3A_8 : i32
    scf.if %cond3A_9 {
      %scan3A = arith.constant 0 : i32
      %scan3A_21 = arith.constant 0 : i32
      %scan3A_22 = arith.constant 250 : i32
      %scan3A_23 = arith.addi %scan3A_21, %scan3A_22 : i32
      %scan3A_24 = arith.constant 1 : i32
      scf.for %scan3A_26 = %scan3A_21 to %scan3A_23 step %scan3A_24  : i32 {
        %mul3A_27 = arith.constant 80 : i32
        %mul3A_28 = arith.muli %scan3A_26, %mul3A_27 : i32
        %add3A = arith.addi %mul3A_2, %mul3A_28 : i32
        "tpu.region"() ({
          %run_scoped3A = tpu.sem_alloc : memref<!tpu.dma_semaphore, #tpu.memory_space<semaphore_mem>>
          %dma_start3A_33 = tpu.memref_slice %arg4[%add3A] : memref<320000xi32, #tpu.memory_space<hbm>> -> memref<80xi32, #tpu.memory_space<hbm>>
          %dma_start3A_34 = tpu.memref_slice %arg4[%add3A] : memref<320000xi32, #tpu.memory_space<hbm>> -> memref<80xi32, #tpu.memory_space<hbm>>
          tpu.enqueue_dma source(%dma_start3A_34 : memref<80xi32, #tpu.memory_space<hbm>>) target(%arg10 : memref<80xi32, #tpu.memory_space<vmem>>) target_semaphore(%run_scoped3A : memref<!tpu.dma_semaphore, #tpu.memory_space<semaphore_mem>>)
          %dma_wait3A_35 = tpu.memref_slice %arg4[%add3A] : memref<320000xi32, #tpu.memory_space<hbm>> -> memref<80xi32, #tpu.memory_space<hbm>>
          %dma_wait3A_36 = tpu.memref_slice %arg4[%add3A] : memref<320000xi32, #tpu.memory_space<hbm>> -> memref<80xi32, #tpu.memory_space<hbm>>
          tpu.wait_dma2 semaphore(%run_scoped3A : memref<!tpu.dma_semaphore, #tpu.memory_space<semaphore_mem>>) src(%dma_wait3A_36 : memref<80xi32, #tpu.memory_space<hbm>>) dst(%arg10 : memref<80xi32, #tpu.memory_space<vmem>>)
          tpu.yield
        }) : () -> ()
        "tpu.region"() ({
          %run_scoped3A = tpu.sem_alloc : memref<!tpu.dma_semaphore, #tpu.memory_space<semaphore_mem>>
          %dma_start3A_33 = tpu.memref_slice %arg5[%add3A] : memref<320000xi32, #tpu.memory_space<hbm>> -> memref<80xi32, #tpu.memory_space<hbm>>
          %dma_start3A_34 = tpu.memref_slice %arg5[%add3A] : memref<320000xi32, #tpu.memory_space<hbm>> -> memref<80xi32, #tpu.memory_space<hbm>>
          tpu.enqueue_dma source(%dma_start3A_34 : memref<80xi32, #tpu.memory_space<hbm>>) target(%arg11 : memref<80xi32, #tpu.memory_space<vmem>>) target_semaphore(%run_scoped3A : memref<!tpu.dma_semaphore, #tpu.memory_space<semaphore_mem>>)
          %dma_wait3A_35 = tpu.memref_slice %arg5[%add3A] : memref<320000xi32, #tpu.memory_space<hbm>> -> memref<80xi32, #tpu.memory_space<hbm>>
          %dma_wait3A_36 = tpu.memref_slice %arg5[%add3A] : memref<320000xi32, #tpu.memory_space<hbm>> -> memref<80xi32, #tpu.memory_space<hbm>>
          tpu.wait_dma2 semaphore(%run_scoped3A : memref<!tpu.dma_semaphore, #tpu.memory_space<semaphore_mem>>) src(%dma_wait3A_36 : memref<80xi32, #tpu.memory_space<hbm>>) dst(%arg11 : memref<80xi32, #tpu.memory_space<vmem>>)
          tpu.yield
        }) : () -> ()
        %dma_start3A = arith.constant 0 : i32
        %dma_start3A_29 = arith.constant 0 : i32
        %dma_start3A_30 = tpu.memref_slice %arg3[%dma_start3A, %dma_start3A_29] : memref<10112x128xf32, #tpu.memory_space<hbm>> -> memref<10112x128xf32, #tpu.memory_space<hbm>>
        tpu.enqueue_indirect_dma source(%dma_start3A_30 : memref<10112x128xf32, #tpu.memory_space<hbm>>) target(%arg12 : memref<80x128xf32, #tpu.memory_space<vmem>>) offsets(%arg10 : memref<80xi32, #tpu.memory_space<vmem>>) semaphore(%arg14 : memref<!tpu.dma_semaphore, #tpu.memory_space<semaphore_mem>>)
        %dma_wait3A = arith.constant 0 : i32
        %dma_wait3A_31 = arith.constant 0 : i32
        %dma_wait3A_32 = tpu.memref_slice %arg3[%dma_wait3A, %dma_wait3A_31] : memref<10112x128xf32, #tpu.memory_space<hbm>> -> memref<10112x128xf32, #tpu.memory_space<hbm>>
        tpu.wait_indirect_dma semaphore(%arg14 : memref<!tpu.dma_semaphore, #tpu.memory_space<semaphore_mem>>) src(%dma_wait3A_32 : memref<10112x128xf32, #tpu.memory_space<hbm>>) dst(%arg12 : memref<80x128xf32, #tpu.memory_space<vmem>>)
        "tpu.region"() ({
          %run_scoped3A = tpu.sem_alloc : memref<!tpu.dma_semaphore, #tpu.memory_space<semaphore_mem>>
          %dma_start3A_33 = arith.constant 0 : i32
          %dma_start3A_34 = arith.constant 0 : i32
          %dma_start3A_35 = tpu.memref_slice %arg13[%dma_start3A_33, %dma_start3A_34] : memref<10112x128xf32, #tpu.memory_space<vmem_shared>> -> memref<10112x128xf32, #tpu.memory_space<vmem_shared>>
          tpu.enqueue_indirect_dma source(%arg12 : memref<80x128xf32, #tpu.memory_space<vmem>>) target(%dma_start3A_35 : memref<10112x128xf32, #tpu.memory_space<vmem_shared>>) offsets(%arg11 : memref<80xi32, #tpu.memory_space<vmem>>) semaphore(%run_scoped3A : memref<!tpu.dma_semaphore, #tpu.memory_space<semaphore_mem>>) {add = true}
          %dma_wait3A_36 = arith.constant 0 : i32
          %dma_wait3A_37 = arith.constant 0 : i32
          %dma_wait3A_38 = tpu.memref_slice %arg13[%dma_wait3A_36, %dma_wait3A_37] : memref<10112x128xf32, #tpu.memory_space<vmem_shared>> -> memref<10112x128xf32, #tpu.memory_space<vmem_shared>>
          tpu.wait_indirect_dma semaphore(%run_scoped3A : memref<!tpu.dma_semaphore, #tpu.memory_space<semaphore_mem>>) src(%arg12 : memref<80x128xf32, #tpu.memory_space<vmem>>) dst(%dma_wait3A_38 : memref<10112x128xf32, #tpu.memory_space<vmem_shared>>)
          tpu.yield
        }) : () -> ()
      }
      %scan3A_25 = arith.constant 250 : i32
    } else {
    }
    %barrier3A_10 = arith.constant 0 : index
    tpu.barrier barrier_id(%barrier3A_10)
    %eq3A_11 = arith.constant 0 : i32
    %eq3A_12 = arith.cmpi eq, %arg0, %eq3A_11 : i32
    %convert_element_type3A_13 = arith.extui %eq3A_12 : i1 to i32
    %cond3A_14 = arith.constant 0 : i32
    %cond3A_15 = arith.cmpi ne, %convert_element_type3A_13, %cond3A_14 : i32
    scf.if %cond3A_15 {
      %mul3A_21 = arith.constant 632 : i32
      %mul3A_22 = arith.muli %arg1, %mul3A_21 : i32
      %mul3A_23 = arith.constant 632 : i32
      %mul3A_24 = arith.muli %arg1, %mul3A_23 : i32
      "tpu.region"() ({
        %run_scoped3A = tpu.sem_alloc : memref<!tpu.dma_semaphore, #tpu.memory_space<semaphore_mem>>
        %dma_start3A = arith.constant 0 : i32
        %dma_start3A_25 = tpu.memref_slice %arg8[%mul3A_24, %dma_start3A] : memref<10112x128xf32, #tpu.memory_space<hbm>> -> memref<632x128xf32, #tpu.memory_space<hbm>>
        %dma_start3A_26 = arith.constant 0 : i32
        %dma_start3A_27 = tpu.memref_slice %arg13[%mul3A_22, %dma_start3A_26] : memref<10112x128xf32, #tpu.memory_space<vmem_shared>> -> memref<632x128xf32, #tpu.memory_space<vmem_shared>>
        tpu.enqueue_dma source(%dma_start3A_27 : memref<632x128xf32, #tpu.memory_space<vmem_shared>>) target(%dma_start3A_25 : memref<632x128xf32, #tpu.memory_space<hbm>>) target_semaphore(%run_scoped3A : memref<!tpu.dma_semaphore, #tpu.memory_space<semaphore_mem>>)
        %dma_wait3A = arith.constant 0 : i32
        %dma_wait3A_28 = tpu.memref_slice %arg8[%mul3A_24, %dma_wait3A] : memref<10112x128xf32, #tpu.memory_space<hbm>> -> memref<632x128xf32, #tpu.memory_space<hbm>>
        %dma_wait3A_29 = arith.constant 0 : i32
        %dma_wait3A_30 = tpu.memref_slice %arg13[%mul3A_22, %dma_wait3A_29] : memref<10112x128xf32, #tpu.memory_space<vmem_shared>> -> memref<632x128xf32, #tpu.memory_space<vmem_shared>>
        tpu.wait_dma2 semaphore(%run_scoped3A : memref<!tpu.dma_semaphore, #tpu.memory_space<semaphore_mem>>) src(%dma_wait3A_30 : memref<632x128xf32, #tpu.memory_space<vmem_shared>>) dst(%dma_wait3A_28 : memref<632x128xf32, #tpu.memory_space<hbm>>)
        tpu.yield
      }) : () -> ()
    } else {
    }
    %eq3A_16 = arith.constant 1 : i32
    %eq3A_17 = arith.cmpi eq, %arg0, %eq3A_16 : i32
    %convert_element_type3A_18 = arith.extui %eq3A_17 : i1 to i32
    %cond3A_19 = arith.constant 0 : i32
    %cond3A_20 = arith.cmpi ne, %convert_element_type3A_18, %cond3A_19 : i32
    scf.if %cond3A_20 {
      %mul3A_21 = arith.constant 632 : i32
      %mul3A_22 = arith.muli %arg1, %mul3A_21 : i32
      %mul3A_23 = arith.constant 632 : i32
      %mul3A_24 = arith.muli %arg1, %mul3A_23 : i32
      "tpu.region"() ({
        %run_scoped3A = tpu.sem_alloc : memref<!tpu.dma_semaphore, #tpu.memory_space<semaphore_mem>>
        %dma_start3A = arith.constant 0 : i32
        %dma_start3A_25 = tpu.memref_slice %arg9[%mul3A_24, %dma_start3A] : memref<10112x128xf32, #tpu.memory_space<hbm>> -> memref<632x128xf32, #tpu.memory_space<hbm>>
        %dma_start3A_26 = arith.constant 0 : i32
        %dma_start3A_27 = tpu.memref_slice %arg13[%mul3A_22, %dma_start3A_26] : memref<10112x128xf32, #tpu.memory_space<vmem_shared>> -> memref<632x128xf32, #tpu.memory_space<vmem_shared>>
        tpu.enqueue_dma source(%dma_start3A_27 : memref<632x128xf32, #tpu.memory_space<vmem_shared>>) target(%dma_start3A_25 : memref<632x128xf32, #tpu.memory_space<hbm>>) target_semaphore(%run_scoped3A : memref<!tpu.dma_semaphore, #tpu.memory_space<semaphore_mem>>)
        %dma_wait3A = arith.constant 0 : i32
        %dma_wait3A_28 = tpu.memref_slice %arg9[%mul3A_24, %dma_wait3A] : memref<10112x128xf32, #tpu.memory_space<hbm>> -> memref<632x128xf32, #tpu.memory_space<hbm>>
        %dma_wait3A_29 = arith.constant 0 : i32
        %dma_wait3A_30 = tpu.memref_slice %arg13[%mul3A_22, %dma_wait3A_29] : memref<10112x128xf32, #tpu.memory_space<vmem_shared>> -> memref<632x128xf32, #tpu.memory_space<vmem_shared>>
        tpu.wait_dma2 semaphore(%run_scoped3A : memref<!tpu.dma_semaphore, #tpu.memory_space<semaphore_mem>>) src(%dma_wait3A_30 : memref<632x128xf32, #tpu.memory_space<vmem_shared>>) dst(%dma_wait3A_28 : memref<632x128xf32, #tpu.memory_space<hbm>>)
        tpu.yield
      }) : () -> ()
    } else {
    }
    return
  }
}

#map = affine_map<(d0, d1) -> (0, 0)>
#map1 = affine_map<(d0, d1) -> (0)>
module attributes {stable_mosaic.version = 14 : i64} {
  func.func @seg(%arg0: i32, %arg1: i32, %arg2: memref<10112x128xf32, #tpu.memory_space<hbm>>, %arg3: memref<10112x128xf32, #tpu.memory_space<hbm>>, %arg4: memref<320000xi32, #tpu.memory_space<hbm>>, %arg5: memref<320000xi32, #tpu.memory_space<hbm>>, %arg6: memref<632x128xf32, #tpu.memory_space<hbm>>, %arg7: memref<80x128xf32, #tpu.memory_space<hbm>>, %arg8: memref<10112x128xf32, #tpu.memory_space<hbm>>, %arg9: memref<10112x128xf32, #tpu.memory_space<hbm>>, %arg10: memref<80xi32, #tpu.memory_space<vmem>>, %arg11: memref<80xi32, #tpu.memory_space<vmem>>, %arg12: memref<80x128xf32, #tpu.memory_space<vmem>>, %arg13: memref<10112x128xf32, #tpu.memory_space<vmem_shared>>, %arg14: memref<!tpu.dma_semaphore, #tpu.memory_space<semaphore_mem>>) attributes {dimension_semantics = [#tpu.dimension_semantics<core_parallel>, #tpu.dimension_semantics<subcore_parallel>], iteration_bounds = array<i64: 2, 16>, scalar_prefetch = 0 : i64, scratch_operands = 5 : i64, tpu.core_type = #tpu.core_type<sc_vector_subcore>, window_params = [{transform_indices = #map}, {transform_indices = #map}, {transform_indices = #map1}, {transform_indices = #map1}, {transform_indices = #map}, {transform_indices = #map}, {transform_indices = #map}, {transform_indices = #map}]} {
    %mul3A = arith.constant 632 : i32
    %mul3A_0 = arith.muli %arg1, %mul3A : i32
    "tpu.region"() ({
      %run_scoped3A = tpu.sem_alloc : memref<!tpu.dma_semaphore, #tpu.memory_space<semaphore_mem>>
      %dma_start3A = arith.constant 0 : i32
      %dma_start3A_21 = tpu.memref_slice %arg13[%mul3A_0, %dma_start3A] : memref<10112x128xf32, #tpu.memory_space<vmem_shared>> -> memref<632x128xf32, #tpu.memory_space<vmem_shared>>
      tpu.enqueue_dma source(%arg6 : memref<632x128xf32, #tpu.memory_space<hbm>>) target(%dma_start3A_21 : memref<632x128xf32, #tpu.memory_space<vmem_shared>>) target_semaphore(%run_scoped3A : memref<!tpu.dma_semaphore, #tpu.memory_space<semaphore_mem>>)
      %dma_wait3A = arith.constant 0 : i32
      %dma_wait3A_22 = tpu.memref_slice %arg13[%mul3A_0, %dma_wait3A] : memref<10112x128xf32, #tpu.memory_space<vmem_shared>> -> memref<632x128xf32, #tpu.memory_space<vmem_shared>>
      tpu.wait_dma2 semaphore(%run_scoped3A : memref<!tpu.dma_semaphore, #tpu.memory_space<semaphore_mem>>) src(%arg6 : memref<632x128xf32, #tpu.memory_space<hbm>>) dst(%dma_wait3A_22 : memref<632x128xf32, #tpu.memory_space<vmem_shared>>)
      tpu.yield
    }) : () -> ()
    %barrier3A = arith.constant 0 : index
    tpu.barrier barrier_id(%barrier3A)
    %mul3A_1 = arith.constant 20000 : i32
    %mul3A_2 = arith.muli %arg1, %mul3A_1 : i32
    %eq3A = arith.constant 0 : i32
    %eq3A_3 = arith.cmpi eq, %arg0, %eq3A : i32
    %convert_element_type3A = arith.extui %eq3A_3 : i1 to i32
    %cond3A = arith.constant 0 : i32
    %cond3A_4 = arith.cmpi ne, %convert_element_type3A, %cond3A : i32
    scf.if %cond3A_4 {
      %scan3A = arith.constant 0 : i32
      %scan3A_21 = arith.constant 0 : i32
      %scan3A_22 = arith.constant 250 : i32
      %scan3A_23 = arith.addi %scan3A_21, %scan3A_22 : i32
      %scan3A_24 = arith.constant 1 : i32
      scf.for %scan3A_26 = %scan3A_21 to %scan3A_23 step %scan3A_24  : i32 {
        %mul3A_27 = arith.constant 80 : i32
        %mul3A_28 = arith.muli %scan3A_26, %mul3A_27 : i32
        %add3A = arith.addi %mul3A_2, %mul3A_28 : i32
        "tpu.region"() ({
          %run_scoped3A = tpu.sem_alloc : memref<!tpu.dma_semaphore, #tpu.memory_space<semaphore_mem>>
          %dma_start3A_33 = tpu.memref_slice %arg4[%add3A] : memref<320000xi32, #tpu.memory_space<hbm>> -> memref<80xi32, #tpu.memory_space<hbm>>
          %dma_start3A_34 = tpu.memref_slice %arg4[%add3A] : memref<320000xi32, #tpu.memory_space<hbm>> -> memref<80xi32, #tpu.memory_space<hbm>>
          tpu.enqueue_dma source(%dma_start3A_34 : memref<80xi32, #tpu.memory_space<hbm>>) target(%arg10 : memref<80xi32, #tpu.memory_space<vmem>>) target_semaphore(%run_scoped3A : memref<!tpu.dma_semaphore, #tpu.memory_space<semaphore_mem>>)
          %dma_wait3A_35 = tpu.memref_slice %arg4[%add3A] : memref<320000xi32, #tpu.memory_space<hbm>> -> memref<80xi32, #tpu.memory_space<hbm>>
          %dma_wait3A_36 = tpu.memref_slice %arg4[%add3A] : memref<320000xi32, #tpu.memory_space<hbm>> -> memref<80xi32, #tpu.memory_space<hbm>>
          tpu.wait_dma2 semaphore(%run_scoped3A : memref<!tpu.dma_semaphore, #tpu.memory_space<semaphore_mem>>) src(%dma_wait3A_36 : memref<80xi32, #tpu.memory_space<hbm>>) dst(%arg10 : memref<80xi32, #tpu.memory_space<vmem>>)
          tpu.yield
        }) : () -> ()
        "tpu.region"() ({
          %run_scoped3A = tpu.sem_alloc : memref<!tpu.dma_semaphore, #tpu.memory_space<semaphore_mem>>
          %dma_start3A_33 = tpu.memref_slice %arg5[%add3A] : memref<320000xi32, #tpu.memory_space<hbm>> -> memref<80xi32, #tpu.memory_space<hbm>>
          %dma_start3A_34 = tpu.memref_slice %arg5[%add3A] : memref<320000xi32, #tpu.memory_space<hbm>> -> memref<80xi32, #tpu.memory_space<hbm>>
          tpu.enqueue_dma source(%dma_start3A_34 : memref<80xi32, #tpu.memory_space<hbm>>) target(%arg11 : memref<80xi32, #tpu.memory_space<vmem>>) target_semaphore(%run_scoped3A : memref<!tpu.dma_semaphore, #tpu.memory_space<semaphore_mem>>)
          %dma_wait3A_35 = tpu.memref_slice %arg5[%add3A] : memref<320000xi32, #tpu.memory_space<hbm>> -> memref<80xi32, #tpu.memory_space<hbm>>
          %dma_wait3A_36 = tpu.memref_slice %arg5[%add3A] : memref<320000xi32, #tpu.memory_space<hbm>> -> memref<80xi32, #tpu.memory_space<hbm>>
          tpu.wait_dma2 semaphore(%run_scoped3A : memref<!tpu.dma_semaphore, #tpu.memory_space<semaphore_mem>>) src(%dma_wait3A_36 : memref<80xi32, #tpu.memory_space<hbm>>) dst(%arg11 : memref<80xi32, #tpu.memory_space<vmem>>)
          tpu.yield
        }) : () -> ()
        %dma_start3A = arith.constant 0 : i32
        %dma_start3A_29 = arith.constant 0 : i32
        %dma_start3A_30 = tpu.memref_slice %arg2[%dma_start3A, %dma_start3A_29] : memref<10112x128xf32, #tpu.memory_space<hbm>> -> memref<10112x128xf32, #tpu.memory_space<hbm>>
        tpu.enqueue_indirect_dma source(%dma_start3A_30 : memref<10112x128xf32, #tpu.memory_space<hbm>>) target(%arg12 : memref<80x128xf32, #tpu.memory_space<vmem>>) offsets(%arg10 : memref<80xi32, #tpu.memory_space<vmem>>) semaphore(%arg14 : memref<!tpu.dma_semaphore, #tpu.memory_space<semaphore_mem>>)
        %dma_wait3A = arith.constant 0 : i32
        %dma_wait3A_31 = arith.constant 0 : i32
        %dma_wait3A_32 = tpu.memref_slice %arg2[%dma_wait3A, %dma_wait3A_31] : memref<10112x128xf32, #tpu.memory_space<hbm>> -> memref<10112x128xf32, #tpu.memory_space<hbm>>
        tpu.wait_indirect_dma semaphore(%arg14 : memref<!tpu.dma_semaphore, #tpu.memory_space<semaphore_mem>>) src(%dma_wait3A_32 : memref<10112x128xf32, #tpu.memory_space<hbm>>) dst(%arg12 : memref<80x128xf32, #tpu.memory_space<vmem>>)
        "tpu.region"() ({
          %run_scoped3A = tpu.sem_alloc : memref<!tpu.dma_semaphore, #tpu.memory_space<semaphore_mem>>
          %dma_start3A_33 = arith.constant 0 : i32
          %dma_start3A_34 = arith.constant 0 : i32
          %dma_start3A_35 = tpu.memref_slice %arg13[%dma_start3A_33, %dma_start3A_34] : memref<10112x128xf32, #tpu.memory_space<vmem_shared>> -> memref<10112x128xf32, #tpu.memory_space<vmem_shared>>
          tpu.enqueue_indirect_dma source(%arg12 : memref<80x128xf32, #tpu.memory_space<vmem>>) target(%dma_start3A_35 : memref<10112x128xf32, #tpu.memory_space<vmem_shared>>) offsets(%arg11 : memref<80xi32, #tpu.memory_space<vmem>>) semaphore(%run_scoped3A : memref<!tpu.dma_semaphore, #tpu.memory_space<semaphore_mem>>) {add = true}
          %dma_wait3A_36 = arith.constant 0 : i32
          %dma_wait3A_37 = arith.constant 0 : i32
          %dma_wait3A_38 = tpu.memref_slice %arg13[%dma_wait3A_36, %dma_wait3A_37] : memref<10112x128xf32, #tpu.memory_space<vmem_shared>> -> memref<10112x128xf32, #tpu.memory_space<vmem_shared>>
          tpu.wait_indirect_dma semaphore(%run_scoped3A : memref<!tpu.dma_semaphore, #tpu.memory_space<semaphore_mem>>) src(%arg12 : memref<80x128xf32, #tpu.memory_space<vmem>>) dst(%dma_wait3A_38 : memref<10112x128xf32, #tpu.memory_space<vmem_shared>>)
          tpu.yield
        }) : () -> ()
      }
      %scan3A_25 = arith.constant 250 : i32
    } else {
    }
    %eq3A_5 = arith.constant 1 : i32
    %eq3A_6 = arith.cmpi eq, %arg0, %eq3A_5 : i32
    %convert_element_type3A_7 = arith.extui %eq3A_6 : i1 to i32
    %cond3A_8 = arith.constant 0 : i32
    %cond3A_9 = arith.cmpi ne, %convert_element_type3A_7, %cond3A_8 : i32
    scf.if %cond3A_9 {
      "tpu.region"() ({
        %run_scoped3A = tpu.sem_alloc : memref<!tpu.dma_semaphore, #tpu.memory_space<semaphore_mem>>
        tpu.enqueue_dma source(%arg7 : memref<80x128xf32, #tpu.memory_space<hbm>>) target(%arg12 : memref<80x128xf32, #tpu.memory_space<vmem>>) target_semaphore(%run_scoped3A : memref<!tpu.dma_semaphore, #tpu.memory_space<semaphore_mem>>)
        tpu.wait_dma2 semaphore(%run_scoped3A : memref<!tpu.dma_semaphore, #tpu.memory_space<semaphore_mem>>) src(%arg7 : memref<80x128xf32, #tpu.memory_space<hbm>>) dst(%arg12 : memref<80x128xf32, #tpu.memory_space<vmem>>)
        tpu.yield
      }) : () -> ()
      %scan3A = arith.constant 0 : i32
      %scan3A_21 = arith.constant 0 : i32
      %scan3A_22 = arith.constant 250 : i32
      %scan3A_23 = arith.addi %scan3A_21, %scan3A_22 : i32
      %scan3A_24 = arith.constant 1 : i32
      scf.for %scan3A_26 = %scan3A_21 to %scan3A_23 step %scan3A_24  : i32 {
        %mul3A_27 = arith.constant 80 : i32
        %mul3A_28 = arith.muli %scan3A_26, %mul3A_27 : i32
        %add3A = arith.addi %mul3A_2, %mul3A_28 : i32
        "tpu.region"() ({
          %run_scoped3A = tpu.sem_alloc : memref<!tpu.dma_semaphore, #tpu.memory_space<semaphore_mem>>
          %dma_start3A = tpu.memref_slice %arg5[%add3A] : memref<320000xi32, #tpu.memory_space<hbm>> -> memref<80xi32, #tpu.memory_space<hbm>>
          %dma_start3A_29 = tpu.memref_slice %arg5[%add3A] : memref<320000xi32, #tpu.memory_space<hbm>> -> memref<80xi32, #tpu.memory_space<hbm>>
          tpu.enqueue_dma source(%dma_start3A_29 : memref<80xi32, #tpu.memory_space<hbm>>) target(%arg11 : memref<80xi32, #tpu.memory_space<vmem>>) target_semaphore(%run_scoped3A : memref<!tpu.dma_semaphore, #tpu.memory_space<semaphore_mem>>)
          %dma_wait3A = tpu.memref_slice %arg5[%add3A] : memref<320000xi32, #tpu.memory_space<hbm>> -> memref<80xi32, #tpu.memory_space<hbm>>
          %dma_wait3A_30 = tpu.memref_slice %arg5[%add3A] : memref<320000xi32, #tpu.memory_space<hbm>> -> memref<80xi32, #tpu.memory_space<hbm>>
          tpu.wait_dma2 semaphore(%run_scoped3A : memref<!tpu.dma_semaphore, #tpu.memory_space<semaphore_mem>>) src(%dma_wait3A_30 : memref<80xi32, #tpu.memory_space<hbm>>) dst(%arg11 : memref<80xi32, #tpu.memory_space<vmem>>)
          tpu.yield
        }) : () -> ()
        "tpu.region"() ({
          %run_scoped3A = tpu.sem_alloc : memref<!tpu.dma_semaphore, #tpu.memory_space<semaphore_mem>>
          %dma_start3A = arith.constant 0 : i32
          %dma_start3A_29 = arith.constant 0 : i32
          %dma_start3A_30 = tpu.memref_slice %arg13[%dma_start3A, %dma_start3A_29] : memref<10112x128xf32, #tpu.memory_space<vmem_shared>> -> memref<10112x128xf32, #tpu.memory_space<vmem_shared>>
          tpu.enqueue_indirect_dma source(%arg12 : memref<80x128xf32, #tpu.memory_space<vmem>>) target(%dma_start3A_30 : memref<10112x128xf32, #tpu.memory_space<vmem_shared>>) offsets(%arg11 : memref<80xi32, #tpu.memory_space<vmem>>) semaphore(%run_scoped3A : memref<!tpu.dma_semaphore, #tpu.memory_space<semaphore_mem>>) {add = true}
          %dma_wait3A = arith.constant 0 : i32
          %dma_wait3A_31 = arith.constant 0 : i32
          %dma_wait3A_32 = tpu.memref_slice %arg13[%dma_wait3A, %dma_wait3A_31] : memref<10112x128xf32, #tpu.memory_space<vmem_shared>> -> memref<10112x128xf32, #tpu.memory_space<vmem_shared>>
          tpu.wait_indirect_dma semaphore(%run_scoped3A : memref<!tpu.dma_semaphore, #tpu.memory_space<semaphore_mem>>) src(%arg12 : memref<80x128xf32, #tpu.memory_space<vmem>>) dst(%dma_wait3A_32 : memref<10112x128xf32, #tpu.memory_space<vmem_shared>>)
          tpu.yield
        }) : () -> ()
      }
      %scan3A_25 = arith.constant 250 : i32
    } else {
    }
    %barrier3A_10 = arith.constant 0 : index
    tpu.barrier barrier_id(%barrier3A_10)
    %eq3A_11 = arith.constant 0 : i32
    %eq3A_12 = arith.cmpi eq, %arg0, %eq3A_11 : i32
    %convert_element_type3A_13 = arith.extui %eq3A_12 : i1 to i32
    %cond3A_14 = arith.constant 0 : i32
    %cond3A_15 = arith.cmpi ne, %convert_element_type3A_13, %cond3A_14 : i32
    scf.if %cond3A_15 {
      %mul3A_21 = arith.constant 632 : i32
      %mul3A_22 = arith.muli %arg1, %mul3A_21 : i32
      %mul3A_23 = arith.constant 632 : i32
      %mul3A_24 = arith.muli %arg1, %mul3A_23 : i32
      "tpu.region"() ({
        %run_scoped3A = tpu.sem_alloc : memref<!tpu.dma_semaphore, #tpu.memory_space<semaphore_mem>>
        %dma_start3A = arith.constant 0 : i32
        %dma_start3A_25 = tpu.memref_slice %arg8[%mul3A_24, %dma_start3A] : memref<10112x128xf32, #tpu.memory_space<hbm>> -> memref<632x128xf32, #tpu.memory_space<hbm>>
        %dma_start3A_26 = arith.constant 0 : i32
        %dma_start3A_27 = tpu.memref_slice %arg13[%mul3A_22, %dma_start3A_26] : memref<10112x128xf32, #tpu.memory_space<vmem_shared>> -> memref<632x128xf32, #tpu.memory_space<vmem_shared>>
        tpu.enqueue_dma source(%dma_start3A_27 : memref<632x128xf32, #tpu.memory_space<vmem_shared>>) target(%dma_start3A_25 : memref<632x128xf32, #tpu.memory_space<hbm>>) target_semaphore(%run_scoped3A : memref<!tpu.dma_semaphore, #tpu.memory_space<semaphore_mem>>)
        %dma_wait3A = arith.constant 0 : i32
        %dma_wait3A_28 = tpu.memref_slice %arg8[%mul3A_24, %dma_wait3A] : memref<10112x128xf32, #tpu.memory_space<hbm>> -> memref<632x128xf32, #tpu.memory_space<hbm>>
        %dma_wait3A_29 = arith.constant 0 : i32
        %dma_wait3A_30 = tpu.memref_slice %arg13[%mul3A_22, %dma_wait3A_29] : memref<10112x128xf32, #tpu.memory_space<vmem_shared>> -> memref<632x128xf32, #tpu.memory_space<vmem_shared>>
        tpu.wait_dma2 semaphore(%run_scoped3A : memref<!tpu.dma_semaphore, #tpu.memory_space<semaphore_mem>>) src(%dma_wait3A_30 : memref<632x128xf32, #tpu.memory_space<vmem_shared>>) dst(%dma_wait3A_28 : memref<632x128xf32, #tpu.memory_space<hbm>>)
        tpu.yield
      }) : () -> ()
    } else {
    }
    %eq3A_16 = arith.constant 1 : i32
    %eq3A_17 = arith.cmpi eq, %arg0, %eq3A_16 : i32
    %convert_element_type3A_18 = arith.extui %eq3A_17 : i1 to i32
    %cond3A_19 = arith.constant 0 : i32
    %cond3A_20 = arith.cmpi ne, %convert_element_type3A_18, %cond3A_19 : i32
    scf.if %cond3A_20 {
      %mul3A_21 = arith.constant 632 : i32
      %mul3A_22 = arith.muli %arg1, %mul3A_21 : i32
      %mul3A_23 = arith.constant 632 : i32
      %mul3A_24 = arith.muli %arg1, %mul3A_23 : i32
      "tpu.region"() ({
        %run_scoped3A = tpu.sem_alloc : memref<!tpu.dma_semaphore, #tpu.memory_space<semaphore_mem>>
        %dma_start3A = arith.constant 0 : i32
        %dma_start3A_25 = tpu.memref_slice %arg9[%mul3A_24, %dma_start3A] : memref<10112x128xf32, #tpu.memory_space<hbm>> -> memref<632x128xf32, #tpu.memory_space<hbm>>
        %dma_start3A_26 = arith.constant 0 : i32
        %dma_start3A_27 = tpu.memref_slice %arg13[%mul3A_22, %dma_start3A_26] : memref<10112x128xf32, #tpu.memory_space<vmem_shared>> -> memref<632x128xf32, #tpu.memory_space<vmem_shared>>
        tpu.enqueue_dma source(%dma_start3A_27 : memref<632x128xf32, #tpu.memory_space<vmem_shared>>) target(%dma_start3A_25 : memref<632x128xf32, #tpu.memory_space<hbm>>) target_semaphore(%run_scoped3A : memref<!tpu.dma_semaphore, #tpu.memory_space<semaphore_mem>>)
        %dma_wait3A = arith.constant 0 : i32
        %dma_wait3A_28 = tpu.memref_slice %arg9[%mul3A_24, %dma_wait3A] : memref<10112x128xf32, #tpu.memory_space<hbm>> -> memref<632x128xf32, #tpu.memory_space<hbm>>
        %dma_wait3A_29 = arith.constant 0 : i32
        %dma_wait3A_30 = tpu.memref_slice %arg13[%mul3A_22, %dma_wait3A_29] : memref<10112x128xf32, #tpu.memory_space<vmem_shared>> -> memref<632x128xf32, #tpu.memory_space<vmem_shared>>
        tpu.wait_dma2 semaphore(%run_scoped3A : memref<!tpu.dma_semaphore, #tpu.memory_space<semaphore_mem>>) src(%dma_wait3A_30 : memref<632x128xf32, #tpu.memory_space<vmem_shared>>) dst(%dma_wait3A_28 : memref<632x128xf32, #tpu.memory_space<hbm>>)
        tpu.yield
      }) : () -> ()
    } else {
    }
    return
  }
}

#map = affine_map<(d0, d1) -> (0, 0)>
#map1 = affine_map<(d0, d1) -> (0)>
module attributes {stable_mosaic.version = 14 : i64} {
  func.func @g(%arg0: i32, %arg1: i32, %arg2: memref<10112x128xf32, #tpu.memory_space<hbm>>, %arg3: memref<2560xi32, #tpu.memory_space<hbm>>, %arg4: memref<2560x128xf32, #tpu.memory_space<hbm>>, %arg5: memref<80xi32, #tpu.memory_space<vmem>>, %arg6: memref<80x128xf32, #tpu.memory_space<vmem>>, %arg7: memref<!tpu.dma_semaphore, #tpu.memory_space<semaphore_mem>>) attributes {dimension_semantics = [#tpu.dimension_semantics<core_parallel>, #tpu.dimension_semantics<subcore_parallel>], iteration_bounds = array<i64: 2, 16>, scalar_prefetch = 0 : i64, scratch_operands = 3 : i64, tpu.core_type = #tpu.core_type<sc_vector_subcore>, window_params = [{transform_indices = #map}, {transform_indices = #map1}, {transform_indices = #map}]} {
    %mul3A = arith.constant 2 : i32
    %mul3A_0 = arith.muli %arg1, %mul3A : i32
    %add3A = arith.addi %mul3A_0, %arg0 : i32
    %mul3A_1 = arith.constant 80 : i32
    %mul3A_2 = arith.muli %add3A, %mul3A_1 : i32
    %add3A_3 = arith.constant 0 : i32
    %add3A_4 = arith.addi %mul3A_2, %add3A_3 : i32
    "tpu.region"() ({
      %run_scoped3A = tpu.sem_alloc : memref<!tpu.dma_semaphore, #tpu.memory_space<semaphore_mem>>
      %dma_start3A_9 = tpu.memref_slice %arg3[%add3A_4] : memref<2560xi32, #tpu.memory_space<hbm>> -> memref<80xi32, #tpu.memory_space<hbm>>
      %dma_start3A_10 = tpu.memref_slice %arg3[%add3A_4] : memref<2560xi32, #tpu.memory_space<hbm>> -> memref<80xi32, #tpu.memory_space<hbm>>
      tpu.enqueue_dma source(%dma_start3A_10 : memref<80xi32, #tpu.memory_space<hbm>>) target(%arg5 : memref<80xi32, #tpu.memory_space<vmem>>) target_semaphore(%run_scoped3A : memref<!tpu.dma_semaphore, #tpu.memory_space<semaphore_mem>>)
      %dma_wait3A_11 = tpu.memref_slice %arg3[%add3A_4] : memref<2560xi32, #tpu.memory_space<hbm>> -> memref<80xi32, #tpu.memory_space<hbm>>
      %dma_wait3A_12 = tpu.memref_slice %arg3[%add3A_4] : memref<2560xi32, #tpu.memory_space<hbm>> -> memref<80xi32, #tpu.memory_space<hbm>>
      tpu.wait_dma2 semaphore(%run_scoped3A : memref<!tpu.dma_semaphore, #tpu.memory_space<semaphore_mem>>) src(%dma_wait3A_12 : memref<80xi32, #tpu.memory_space<hbm>>) dst(%arg5 : memref<80xi32, #tpu.memory_space<vmem>>)
      tpu.yield
    }) : () -> ()
    %dma_start3A = arith.constant 0 : i32
    %dma_start3A_5 = arith.constant 0 : i32
    %dma_start3A_6 = tpu.memref_slice %arg2[%dma_start3A, %dma_start3A_5] : memref<10112x128xf32, #tpu.memory_space<hbm>> -> memref<10112x128xf32, #tpu.memory_space<hbm>>
    tpu.enqueue_indirect_dma source(%dma_start3A_6 : memref<10112x128xf32, #tpu.memory_space<hbm>>) target(%arg6 : memref<80x128xf32, #tpu.memory_space<vmem>>) offsets(%arg5 : memref<80xi32, #tpu.memory_space<vmem>>) semaphore(%arg7 : memref<!tpu.dma_semaphore, #tpu.memory_space<semaphore_mem>>)
    %dma_wait3A = arith.constant 0 : i32
    %dma_wait3A_7 = arith.constant 0 : i32
    %dma_wait3A_8 = tpu.memref_slice %arg2[%dma_wait3A, %dma_wait3A_7] : memref<10112x128xf32, #tpu.memory_space<hbm>> -> memref<10112x128xf32, #tpu.memory_space<hbm>>
    tpu.wait_indirect_dma semaphore(%arg7 : memref<!tpu.dma_semaphore, #tpu.memory_space<semaphore_mem>>) src(%dma_wait3A_8 : memref<10112x128xf32, #tpu.memory_space<hbm>>) dst(%arg6 : memref<80x128xf32, #tpu.memory_space<vmem>>)
    "tpu.region"() ({
      %run_scoped3A = tpu.sem_alloc : memref<!tpu.dma_semaphore, #tpu.memory_space<semaphore_mem>>
      %dma_start3A_9 = arith.constant 0 : i32
      %dma_start3A_10 = tpu.memref_slice %arg4[%add3A_4, %dma_start3A_9] : memref<2560x128xf32, #tpu.memory_space<hbm>> -> memref<80x128xf32, #tpu.memory_space<hbm>>
      %dma_start3A_11 = arith.constant 0 : i32
      %dma_start3A_12 = tpu.memref_slice %arg4[%add3A_4, %dma_start3A_11] : memref<2560x128xf32, #tpu.memory_space<hbm>> -> memref<80x128xf32, #tpu.memory_space<hbm>>
      tpu.enqueue_dma source(%arg6 : memref<80x128xf32, #tpu.memory_space<vmem>>) target(%dma_start3A_12 : memref<80x128xf32, #tpu.memory_space<hbm>>) target_semaphore(%run_scoped3A : memref<!tpu.dma_semaphore, #tpu.memory_space<semaphore_mem>>)
      %dma_wait3A_13 = arith.constant 0 : i32
      %dma_wait3A_14 = tpu.memref_slice %arg4[%add3A_4, %dma_wait3A_13] : memref<2560x128xf32, #tpu.memory_space<hbm>> -> memref<80x128xf32, #tpu.memory_space<hbm>>
      %dma_wait3A_15 = arith.constant 0 : i32
      %dma_wait3A_16 = tpu.memref_slice %arg4[%add3A_4, %dma_wait3A_15] : memref<2560x128xf32, #tpu.memory_space<hbm>> -> memref<80x128xf32, #tpu.memory_space<hbm>>
      tpu.wait_dma2 semaphore(%run_scoped3A : memref<!tpu.dma_semaphore, #tpu.memory_space<semaphore_mem>>) src(%arg6 : memref<80x128xf32, #tpu.memory_space<vmem>>) dst(%dma_wait3A_16 : memref<80x128xf32, #tpu.memory_space<hbm>>)
      tpu.yield
    }) : () -> ()
    return
  }
}

module attributes {stable_mosaic.version = 14 : i64} {
  func.func @_dense_body(%arg0: memref<10112x128xf32, #tpu.memory_space<vmem>>, %arg1: memref<10112x128xf32, #tpu.memory_space<vmem>>, %arg2: memref<10112x128xf32, #tpu.memory_space<vmem>>, %arg3: memref<128x128xf32, #tpu.memory_space<vmem>>, %arg4: memref<128xf32, #tpu.memory_space<vmem>>, %arg5: memref<128x128xf32, #tpu.memory_space<vmem>>, %arg6: memref<128xf32, #tpu.memory_space<vmem>>, %arg7: memref<10112x1xf32, #tpu.memory_space<vmem>>, %arg8: memref<10112x128xf32, #tpu.memory_space<vmem>>, %arg9: memref<10112x1xf32, #tpu.memory_space<vmem>>) attributes {dimension_semantics = [], scalar_prefetch = 0 : i64, scratch_operands = 0 : i64, tpu.core_type = #tpu.core_type<tc>} {
    %get3A = arith.constant 0 : index
    %get3A_0 = arith.constant 0 : index
    %get3A_1 = vector.load %arg1[%get3A, %get3A_0] : memref<10112x128xf32, #tpu.memory_space<vmem>>, vector<10112x128xf32>
    %slice3A = vector.extract_strided_slice %get3A_1 {offsets = [0, 0], sizes = [10112, 1], strides = [1, 1]} : vector<10112x128xf32> to vector<10112x1xf32>
    %squeeze3A = vector.shape_cast %slice3A : vector<10112x1xf32> to vector<10112xf32>
    %get3A_2 = arith.constant 0 : index
    %get3A_3 = arith.constant 0 : index
    %get3A_4 = vector.load %arg0[%get3A_2, %get3A_3] : memref<10112x128xf32, #tpu.memory_space<vmem>>, vector<10112x128xf32>
    %max3A = arith.constant 1.000000e+00 : f32
    %max3A_5 = vector.broadcast %max3A : f32 to vector<10112xf32>
    %max3A_6 = arith.maximumf %squeeze3A, %max3A_5 : vector<10112xf32>
    %broadcast_in_dim3A = vector.shape_cast %max3A_6 : vector<10112xf32> to vector<10112x1xf32>
    %div3A = vector.broadcast %broadcast_in_dim3A : vector<10112x1xf32> to vector<10112x128xf32>
    %div3A_7 = arith.divf %get3A_4, %div3A : vector<10112x128xf32>
    %get3A_8 = arith.constant 0 : index
    %get3A_9 = arith.constant 0 : index
    %get3A_10 = vector.load %arg3[%get3A_8, %get3A_9] : memref<128x128xf32, #tpu.memory_space<vmem>>, vector<128x128xf32>
    %transpose3A = tpu.transpose %get3A_10, [1, 0] : vector<128x128xf32> -> vector<128x128xf32>
    %dot_general3A = arith.constant dense<0.000000e+00> : vector<10112x128xf32>
    %dot_general3A_11 = tpu.matmul %div3A_7, %transpose3A, %dot_general3A {dimension_numbers = #tpu.dot_dimension_numbers<[1], [0], [0], [1], [0, 0, 1, 1], [], []>, transpose_lhs_hint = false} : vector<10112x128xf32>, vector<128x128xf32>, vector<10112x128xf32> -> vector<10112x128xf32>
    %get3A_12 = arith.constant 0 : index
    %get3A_13 = vector.load %arg4[%get3A_12] : memref<128xf32, #tpu.memory_space<vmem>>, vector<128xf32>
    %broadcast_in_dim3A_14 = vector.shape_cast %get3A_13 : vector<128xf32> to vector<1x128xf32>
    %add3A = vector.broadcast %broadcast_in_dim3A_14 : vector<1x128xf32> to vector<10112x128xf32>
    %add3A_15 = arith.addf %dot_general3A_11, %add3A : vector<10112x128xf32>
    %get3A_16 = arith.constant 0 : index
    %get3A_17 = arith.constant 0 : index
    %get3A_18 = vector.load %arg2[%get3A_16, %get3A_17] : memref<10112x128xf32, #tpu.memory_space<vmem>>, vector<10112x128xf32>
    %get3A_19 = arith.constant 0 : index
    %get3A_20 = arith.constant 0 : index
    %get3A_21 = vector.load %arg5[%get3A_19, %get3A_20] : memref<128x128xf32, #tpu.memory_space<vmem>>, vector<128x128xf32>
    %transpose3A_22 = tpu.transpose %get3A_21, [1, 0] : vector<128x128xf32> -> vector<128x128xf32>
    %dot_general3A_23 = arith.constant dense<0.000000e+00> : vector<10112x128xf32>
    %dot_general3A_24 = tpu.matmul %get3A_18, %transpose3A_22, %dot_general3A_23 {dimension_numbers = #tpu.dot_dimension_numbers<[1], [0], [0], [1], [0, 0, 1, 1], [], []>, transpose_lhs_hint = false} : vector<10112x128xf32>, vector<128x128xf32>, vector<10112x128xf32> -> vector<10112x128xf32>
    %add3A_25 = arith.addf %add3A_15, %dot_general3A_24 : vector<10112x128xf32>
    %max3A_26 = arith.constant 0.000000e+00 : f32
    %max3A_27 = vector.broadcast %max3A_26 : f32 to vector<10112x128xf32>
    %max3A_28 = arith.maximumf %add3A_25, %max3A_27 : vector<10112x128xf32>
    %swap3A = arith.constant 0 : index
    %swap3A_29 = arith.constant 0 : index
    %swap3A_30 = vector.load %arg8[%swap3A, %swap3A_29] : memref<10112x128xf32, #tpu.memory_space<vmem>>, vector<10112x128xf32>
    tpu.vector_store %arg8[%swap3A, %swap3A_29], %max3A_28 {strides = array<i32>} : memref<10112x128xf32, #tpu.memory_space<vmem>>, vector<10112x128xf32>,
    %get3A_31 = arith.constant 0 : index
    %get3A_32 = vector.load %arg6[%get3A_31] : memref<128xf32, #tpu.memory_space<vmem>>, vector<128xf32>
    %mul3A = arith.mulf %get3A_32, %get3A_32 : vector<128xf32>
    %reduce_sum3A = vector.shape_cast %mul3A : vector<128xf32> to vector<1x128xf32>
    %reduce_sum3A_33 = arith.constant dense<0.000000e+00> : vector<1xf32>
    %reduce_sum3A_34 = vector.multi_reduction <add>, %reduce_sum3A, %reduce_sum3A_33 [1] : vector<1x128xf32> to vector<1xf32>
    %reduce_sum3A_35 = vector.shape_cast %reduce_sum3A_34 : vector<1xf32> to vector<1x1xf32>
    %reduce_sum3A_36 = vector.extract %reduce_sum3A_35[0, 0] : f32 from vector<1x1xf32>
    %rsqrt3A = math.rsqrt %reduce_sum3A_36 : f32
    %mul3A_37 = vector.broadcast %rsqrt3A : f32 to vector<128xf32>
    %mul3A_38 = arith.mulf %get3A_32, %mul3A_37 : vector<128xf32>
    %broadcast_in_dim3A_39 = vector.shape_cast %mul3A_38 : vector<128xf32> to vector<1x128xf32>
    %mul3A_40 = vector.broadcast %broadcast_in_dim3A_39 : vector<1x128xf32> to vector<10112x128xf32>
    %mul3A_41 = arith.mulf %max3A_28, %mul3A_40 : vector<10112x128xf32>
    %reduce_sum3A_42 = arith.constant dense<0.000000e+00> : vector<10112xf32>
    %reduce_sum3A_43 = vector.multi_reduction <add>, %mul3A_41, %reduce_sum3A_42 [1] : vector<10112x128xf32> to vector<10112xf32>
    %broadcast_in_dim3A_44 = vector.shape_cast %reduce_sum3A_43 : vector<10112xf32> to vector<10112x1xf32>
    %tanh3A = math.tanh %broadcast_in_dim3A_44 : vector<10112x1xf32>
    %get3A_45 = arith.constant 0 : index
    %get3A_46 = arith.constant 0 : index
    %get3A_47 = vector.load %arg7[%get3A_45, %get3A_46] : memref<10112x1xf32, #tpu.memory_space<vmem>>, vector<10112x1xf32>
    %gt3A = arith.constant 0.000000e+00 : f32
    %gt3A_48 = vector.broadcast %gt3A : f32 to vector<10112x1xf32>
    %gt3A_49 = arith.cmpf ogt, %get3A_47, %gt3A_48 : vector<10112x1xf32>
    %jit3A = arith.constant -3.000000e+38 : f32
    %broadcast_in_dim3A_50 = vector.broadcast %jit3A : f32 to vector<10112x1xf32>
    %select_n3A = arith.select %gt3A_49, %tanh3A, %broadcast_in_dim3A_50 : vector<10112x1xi1>, vector<10112x1xf32>
    %swap3A_51 = arith.constant 0 : index
    %swap3A_52 = arith.constant 0 : index
    %swap3A_53 = vector.load %arg9[%swap3A_51, %swap3A_52] : memref<10112x1xf32, #tpu.memory_space<vmem>>, vector<10112x1xf32>
    tpu.vector_store %arg9[%swap3A_51, %swap3A_52], %select_n3A {strides = array<i32>} : memref<10112x1xf32, #tpu.memory_space<vmem>>, vector<10112x1xf32>,
    return
  }
}

module attributes {stable_mosaic.version = 14 : i64} {
  func.func @_mscale_body(%arg0: memref<10112x128xf32, #tpu.memory_space<vmem>>, %arg1: memref<10112x1xf32, #tpu.memory_space<vmem>>, %arg2: memref<10112x1xf32, #tpu.memory_space<vmem>>, %arg3: memref<10112x128xf32, #tpu.memory_space<vmem>>, %arg4: memref<10112x128xf32, #tpu.memory_space<vmem>>) attributes {dimension_semantics = [], scalar_prefetch = 0 : i64, scratch_operands = 0 : i64, tpu.core_type = #tpu.core_type<tc>} {
    %get3A = arith.constant 0 : index
    %get3A_0 = arith.constant 0 : index
    %get3A_1 = vector.load %arg0[%get3A, %get3A_0] : memref<10112x128xf32, #tpu.memory_space<vmem>>, vector<10112x128xf32>
    %get3A_2 = arith.constant 0 : index
    %get3A_3 = arith.constant 0 : index
    %get3A_4 = vector.load %arg1[%get3A_2, %get3A_3] : memref<10112x1xf32, #tpu.memory_space<vmem>>, vector<10112x1xf32>
    %mul3A = vector.broadcast %get3A_4 : vector<10112x1xf32> to vector<10112x128xf32>
    %mul3A_5 = arith.mulf %get3A_1, %mul3A : vector<10112x128xf32>
    %swap3A = arith.constant 0 : index
    %swap3A_6 = arith.constant 0 : index
    %swap3A_7 = vector.load %arg3[%swap3A, %swap3A_6] : memref<10112x128xf32, #tpu.memory_space<vmem>>, vector<10112x128xf32>
    tpu.vector_store %arg3[%swap3A, %swap3A_6], %mul3A_5 {strides = array<i32>} : memref<10112x128xf32, #tpu.memory_space<vmem>>, vector<10112x128xf32>,
    %get3A_8 = arith.constant 0 : index
    %get3A_9 = arith.constant 0 : index
    %get3A_10 = vector.load %arg2[%get3A_8, %get3A_9] : memref<10112x1xf32, #tpu.memory_space<vmem>>, vector<10112x1xf32>
    %broadcast_in_dim3A = arith.constant 1.000000e+00 : f32
    %broadcast_in_dim3A_11 = vector.broadcast %broadcast_in_dim3A : f32 to vector<1x128xf32>
    %mul3A_12 = vector.broadcast %get3A_10 : vector<10112x1xf32> to vector<10112x128xf32>
    %mul3A_13 = vector.broadcast %broadcast_in_dim3A_11 : vector<1x128xf32> to vector<10112x128xf32>
    %mul3A_14 = arith.mulf %mul3A_12, %mul3A_13 : vector<10112x128xf32>
    %swap3A_15 = arith.constant 0 : index
    %swap3A_16 = arith.constant 0 : index
    %swap3A_17 = vector.load %arg4[%swap3A_15, %swap3A_16] : memref<10112x128xf32, #tpu.memory_space<vmem>>, vector<10112x128xf32>
    tpu.vector_store %arg4[%swap3A_15, %swap3A_16], %mul3A_14 {strides = array<i32>} : memref<10112x128xf32, #tpu.memory_space<vmem>>, vector<10112x128xf32>,
    return
  }
}

module attributes {stable_mosaic.version = 14 : i64} {
  func.func @_final_body(%arg0: memref<10000x128xf32, #tpu.memory_space<vmem>>, %arg1: memref<10000x1xf32, #tpu.memory_space<vmem>>, %arg2: memref<2560x128xf32, #tpu.memory_space<vmem>>, %arg3: memref<2560x1xf32, #tpu.memory_space<vmem>>, %arg4: memref<1x512xf32, #tpu.memory_space<vmem>>) attributes {dimension_semantics = [], scalar_prefetch = 0 : i64, scratch_operands = 0 : i64, tpu.core_type = #tpu.core_type<tc>} {
    %get3A = arith.constant 0 : index
    %get3A_0 = arith.constant 0 : index
    %get3A_1 = vector.load %arg0[%get3A, %get3A_0] : memref<10000x128xf32, #tpu.memory_space<vmem>>, vector<10000x128xf32>
    %get3A_2 = arith.constant 0 : index
    %get3A_3 = arith.constant 0 : index
    %get3A_4 = vector.load %arg1[%get3A_2, %get3A_3] : memref<10000x1xf32, #tpu.memory_space<vmem>>, vector<10000x1xf32>
    %gt3A = arith.constant 0.000000e+00 : f32
    %gt3A_5 = vector.broadcast %gt3A : f32 to vector<10000x1xf32>
    %gt3A_6 = arith.cmpf ogt, %get3A_4, %gt3A_5 : vector<10000x1xf32>
    %jit3A = arith.constant -3.000000e+38 : f32
    %broadcast_in_dim3A = vector.shape_cast %gt3A_6 : vector<10000x1xi1> to vector<10000x1xi1>
    %broadcast_in_dim3A_7 = vector.broadcast %broadcast_in_dim3A : vector<10000x1xi1> to vector<10000x128xi1>
    %broadcast_in_dim3A_8 = vector.broadcast %jit3A : f32 to vector<10000x128xf32>
    %select_n3A = arith.select %broadcast_in_dim3A_7, %get3A_1, %broadcast_in_dim3A_8 : vector<10000x128xi1>, vector<10000x128xf32>
    %reduce_max3A = arith.constant dense<0xFF800000> : vector<128xf32>
    %reduce_max3A_9 = vector.multi_reduction <maximumf>, %select_n3A, %reduce_max3A [0] : vector<10000x128xf32> to vector<128xf32>
    %reduce_sum3A = arith.constant dense<0.000000e+00> : vector<128xf32>
    %reduce_sum3A_10 = vector.multi_reduction <add>, %get3A_1, %reduce_sum3A [0] : vector<10000x128xf32> to vector<128xf32>
    %div3A = arith.constant 5.000000e+03 : f32
    %div3A_11 = vector.broadcast %div3A : f32 to vector<128xf32>
    %div3A_12 = arith.divf %reduce_sum3A_10, %div3A_11 : vector<128xf32>
    %get3A_13 = arith.constant 0 : index
    %get3A_14 = arith.constant 0 : index
    %get3A_15 = vector.load %arg2[%get3A_13, %get3A_14] : memref<2560x128xf32, #tpu.memory_space<vmem>>, vector<2560x128xf32>
    %get3A_16 = arith.constant 0 : index
    %get3A_17 = arith.constant 0 : index
    %get3A_18 = vector.load %arg3[%get3A_16, %get3A_17] : memref<2560x1xf32, #tpu.memory_space<vmem>>, vector<2560x1xf32>
    %mul3A = vector.broadcast %get3A_18 : vector<2560x1xf32> to vector<2560x128xf32>
    %mul3A_19 = arith.mulf %get3A_15, %mul3A : vector<2560x128xf32>
    %iota3A = tpu.iota {dimensions = array<i32: 0>} : vector<2560x128xi32>
    %lt3A = arith.constant 2500 : i32
    %lt3A_20 = vector.broadcast %lt3A : i32 to vector<2560x128xi32>
    %lt3A_21 = arith.cmpi slt, %iota3A, %lt3A_20 : vector<2560x128xi32>
    %jit3A_22 = arith.constant -3.000000e+38 : f32
    %broadcast_in_dim3A_23 = vector.broadcast %jit3A_22 : f32 to vector<2560x128xf32>
    %select_n3A_24 = arith.select %lt3A_21, %mul3A_19, %broadcast_in_dim3A_23 : vector<2560x128xi1>, vector<2560x128xf32>
    %reduce_max3A_25 = arith.constant dense<0xFF800000> : vector<128xf32>
    %reduce_max3A_26 = vector.multi_reduction <maximumf>, %select_n3A_24, %reduce_max3A_25 [0] : vector<2560x128xf32> to vector<128xf32>
    %jit3A_27 = arith.constant 0.000000e+00 : f32
    %broadcast_in_dim3A_28 = vector.broadcast %jit3A_27 : f32 to vector<2560x128xf32>
    %select_n3A_29 = arith.select %lt3A_21, %mul3A_19, %broadcast_in_dim3A_28 : vector<2560x128xi1>, vector<2560x128xf32>
    %reduce_sum3A_30 = arith.constant dense<0.000000e+00> : vector<128xf32>
    %reduce_sum3A_31 = vector.multi_reduction <add>, %select_n3A_29, %reduce_sum3A_30 [0] : vector<2560x128xf32> to vector<128xf32>
    %div3A_32 = arith.constant 2.500000e+03 : f32
    %div3A_33 = vector.broadcast %div3A_32 : f32 to vector<128xf32>
    %div3A_34 = arith.divf %reduce_sum3A_31, %div3A_33 : vector<128xf32>
    %broadcast_in_dim3A_35 = vector.shape_cast %reduce_max3A_9 : vector<128xf32> to vector<1x128xf32>
    %swap3A = arith.constant 0 : index
    %swap3A_36 = arith.constant 0 : index
    %swap3A_37 = vector.load %arg4[%swap3A, %swap3A_36] : memref<1x512xf32, #tpu.memory_space<vmem>>, vector<1x128xf32>
    tpu.vector_store %arg4[%swap3A, %swap3A_36], %broadcast_in_dim3A_35 {strides = array<i32>} : memref<1x512xf32, #tpu.memory_space<vmem>>, vector<1x128xf32>,
    %broadcast_in_dim3A_38 = vector.shape_cast %div3A_12 : vector<128xf32> to vector<1x128xf32>
    %swap3A_39 = arith.constant 0 : index
    %swap3A_40 = arith.constant 128 : index
    %swap3A_41 = vector.load %arg4[%swap3A_39, %swap3A_40] : memref<1x512xf32, #tpu.memory_space<vmem>>, vector<1x128xf32>
    tpu.vector_store %arg4[%swap3A_39, %swap3A_40], %broadcast_in_dim3A_38 {strides = array<i32>} : memref<1x512xf32, #tpu.memory_space<vmem>>, vector<1x128xf32>,
    %broadcast_in_dim3A_42 = vector.shape_cast %reduce_max3A_26 : vector<128xf32> to vector<1x128xf32>
    %swap3A_43 = arith.constant 0 : index
    %swap3A_44 = arith.constant 256 : index
    %swap3A_45 = vector.load %arg4[%swap3A_43, %swap3A_44] : memref<1x512xf32, #tpu.memory_space<vmem>>, vector<1x128xf32>
    tpu.vector_store %arg4[%swap3A_43, %swap3A_44], %broadcast_in_dim3A_42 {strides = array<i32>} : memref<1x512xf32, #tpu.memory_space<vmem>>, vector<1x128xf32>,
    %broadcast_in_dim3A_46 = vector.shape_cast %div3A_34 : vector<128xf32> to vector<1x128xf32>
    %swap3A_47 = arith.constant 0 : index
    %swap3A_48 = arith.constant 384 : index
    %swap3A_49 = vector.load %arg4[%swap3A_47, %swap3A_48] : memref<1x512xf32, #tpu.memory_space<vmem>>, vector<1x128xf32>
    tpu.vector_store %arg4[%swap3A_47, %swap3A_48], %broadcast_in_dim3A_46 {strides = array<i32>} : memref<1x512xf32, #tpu.memory_space<vmem>>, vector<1x128xf32>,
    return
  }
}

</mosaic_0001>

<sc_bundles>
// kernel: kernel.12.cloned.1.call-start
scs
__scs_entry_jumppad:
0x0: {  	(pc) =	sbr.rel $0x88, $3  }
0x1: {  	(tag) =	ssettag $0x0;
	lr =	simm.s32 $0x1  }
0x2: {  	[smem:$0x3F97] =	sst lr;
	_ =	strace $0xD0000000  }
0x3: {  	_ = 	snop  }
0x4: {  	_ = 	snop  }
0x5: {  	_ = 	snop  }
0x6: {  	_ = 	snop  }
0x7: {  	_ = 	snop  }
__scs_overlays_trampoline_lowered:
0x8: {  	[smem:$0x3FA6] =	sst s0  }
0x9: {  	[smem:$0x3FA7] =	sst s1  }
0xa: {  	[smem:$0x3FA8] =	sst s2  }
0xb: {  	[smem:$0x3FA9] =	sst s3  }
0xc: {  	[smem:$0x3FAA] =	sst s4  }
0xd: {  	[smem:$0x3FAB] =	sst s5  }
0xe: {  	[smem:$0x3FAC] =	sst s6  }
0xf: {  	[smem:$0x3FAD] =	sst s7  }
0x10: {  	[smem:$0x3FAE] =	sst s8  }
0x11: {  	[smem:$0x3FAF] =	sst s9;
	s0 =	simm.s32 @!p0 $0x0  }
0x12: {  	s1 =	sld [smem:$0x3F95];
	s0 =	simm.s32 @p0 $0x1  }
0x13: {  	[smem:$0x3FB0] =	sst s0;
	s0 =	simm.s32 @!p1 $0x0  }
0x14: {  	s2 =	sld [smem:$0x3F94];
	s0 =	simm.s32 @p1 $0x1  }
0x15: {  	[smem:$0x3FB1] =	sst s0;
	s0 =	simm.s32 @!p2 $0x0  }
0x16: {  	s3 =	sld [smem:$0x3FDB];
	s0 =	simm.s32 @p2 $0x1  }
0x17: {  	s4 =	simm.s32 $0x1BF5;
	[smem:$0x3FB3] =	sst s0  }
0x18: {  	s0 =	sld [smem:$0x3F96];
	_ =	swait.ge [sflag:s4], $0x0  }
0x19: {  	s7 =	sld [smem:$0x3F97]  }
0x1a: {  	s8 =	sadd.s32 $0xFFFFE003, lr  }
0x1b: {  	s9 =	sadd.s32 $0xFFFFFEF7, lr;
	s5 =	simm.s32 $0xFFFFFFFF;
	p2 =	slt.u32 s8, $0xFFFFF086  }
0x1c: {  	p1 =	slt.u32 s9, $0xF7A;
	s5 =	simm.s32 @!p2 $0x0  }
0x1d: {  	s5 =	simm.s32 @p1 $0x1;
	p0 =	seq.s32 s7, s2  }
0x1e: {  	s7 =	smul.u32 @!p0 $0xF7A, s2;
	p2 =	seq.s32 @!p0 s5, $0x0  }
0x1f: {  	s9 =	smul.u32 $0xF7A, s1;
	s8 =	simm.s32 @!p0 $0x1BF5;
	p2 =	por !p2, p0  }
0x20: {  	[sflag:s8] =	ssyncset.s32 @!p0 $0xFFFFF086;
	s6 =	sadd.s32 @!p0 s3, s7;
	s7 =	simm.s32 @!p0 $0x108  }
0x21: {  	s3 =	sadd.s32 s3, s9;
	s6 =	sadd.s32 @!p0 $0x88, s6;
	s7 =	simm.s32 @p2 $0x1082  }
0x22: {  	[simem:s7], [sflag:s8] =	dma.local @!p0 [hbm:s6], $0xF7A  }
0x23: {  	s9 =	sor.u32 $0xD0000000, s2;
	s6 =	simm.s32 $0x108;
	_ =	swait.ge @!p0 [sflag:s8], $0x0  }
0x24: {  	s3 =	sadd.s32 $0x88, s3;
	s6 =	simm.s32 @!p1 $0x1082;
	[sflag:s4] =	ssyncset.s32 $0xFFFFF086  }
0x25: {  	[simem:s6], [sflag:s4] =	dma.local [hbm:s3], $0xF7A  }
0x26: {  	[smem:$0x3F97] =	sst s1;
	(tag) =	ssettag s2;
	_ =	strace s9  }
0x27: {  	s1 =	sld [smem:$0x3FA7]  }
0x28: {  	s2 =	sld [smem:$0x3FA8]  }
0x29: {  	s4 =	sld [smem:$0x3FAA]  }
0x2a: {  	p0 =	seq.s32 s5, $0x0;
	s5 =	sld [smem:$0x3FAB]  }
0x2b: {  	s6 =	sld [smem:$0x3FAC]  }
0x2c: {  	s7 =	sld [smem:$0x3FAD]  }
0x2d: {  	s3 =	simm.s32 $0x108;
	s8 =	sld [smem:$0x3FAE]  }
0x2e: {  	s3 =	simm.s32 @!p0 $0x1082;
	s9 =	sld [smem:$0x3FAF]  }
0x2f: {  	lr =	sadd.s32 s0, s3;
	s0 =	sld [smem:$0x3FA6]  }
0x30: {  	s3 =	sld [smem:$0x3FA9]  }
0x31: {  	[smem:$0x3FB2] =	sst s10  }
0x32: {  	s10 =	sld [smem:$0x3FB0];
	_ =	sdelay $0x3  }
0x33: {  	p0 =	seq.s32 s10, $0x1;
	s10 =	sld [smem:$0x3FB2];
	_ =	sdelay $0x3  }
0x34: {  	[smem:$0x3FB2] =	sst s10  }
0x35: {  	s10 =	sld [smem:$0x3FB1];
	_ =	sdelay $0x3  }
0x36: {  	p1 =	seq.s32 s10, $0x1;
	s10 =	sld [smem:$0x3FB2];
	_ =	sdelay $0x3  }
0x37: {  	[smem:$0x3FB2] =	sst s10  }
0x38: {  	s10 =	sld [smem:$0x3FB3]  }
0x39: {  	_ = 	snop;
	(pc) =	sbr.ind lr, $3  }
0x3a: {  	_ = 	snop  }
0x3b: {  	_ = 	snop  }
0x3c: {  	p2 =	seq.s32 s10, $0x1;
	s10 =	sld [smem:$0x3FB2]  }
0x3d: {  	_ =	shalt  }
0x3e: {  	_ =	shalt  }
0x3f: {  	_ =	shalt  }
0x40: {  	_ =	shalt  }
0x41: {  	_ =	shalt  }
0x42: {  	_ =	shalt  }
0x43: {  	_ =	shalt  }
0x44: {  	_ =	shalt  }
0x45: {  	_ =	shalt  }
0x46: {  	_ =	shalt  }
0x47: {  	_ =	shalt  }
0x48: {  	_ =	shalt  }
0x49: {  	_ =	shalt  }
0x4a: {  	_ =	shalt  }
0x4b: {  	_ =	shalt  }
0x4c: {  	_ =	shalt  }
0x4d: {  	_ =	shalt  }
0x4e: {  	_ =	shalt  }
0x4f: {  	_ =	shalt  }
0x50: {  	_ =	shalt  }
0x51: {  	_ =	shalt  }
0x52: {  	_ =	shalt  }
0x53: {  	_ =	shalt  }
0x54: {  	_ =	shalt  }
0x55: {  	_ =	shalt  }
0x56: {  	_ =	shalt  }
0x57: {  	_ =	shalt  }
0x58: {  	_ =	shalt  }
0x59: {  	_ =	shalt  }
0x5a: {  	_ =	shalt  }
0x5b: {  	_ =	shalt  }
0x5c: {  	_ =	shalt  }
0x5d: {  	_ =	shalt  }
0x5e: {  	_ =	shalt  }
0x5f: {  	_ =	shalt  }
0x60: {  	_ =	shalt  }
0x61: {  	_ =	shalt  }
0x62: {  	_ =	shalt  }
0x63: {  	_ =	shalt  }
0x64: {  	_ =	shalt  }
0x65: {  	_ =	shalt  }
0x66: {  	_ =	shalt  }
0x67: {  	_ =	shalt  }
0x68: {  	_ =	shalt  }
0x69: {  	_ =	shalt  }
0x6a: {  	_ =	shalt  }
0x6b: {  	_ =	shalt  }
0x6c: {  	_ =	shalt  }
0x6d: {  	_ =	shalt  }
0x6e: {  	_ =	shalt  }
0x6f: {  	_ =	shalt  }
0x70: {  	_ =	shalt  }
0x71: {  	_ =	shalt  }
0x72: {  	_ =	shalt  }
0x73: {  	_ =	shalt  }
0x74: {  	_ =	shalt  }
0x75: {  	_ =	shalt  }
0x76: {  	_ =	shalt  }
0x77: {  	_ =	shalt  }
0x78: {  	_ =	shalt  }
0x79: {  	_ =	shalt  }
0x7a: {  	_ =	shalt  }
0x7b: {  	_ =	shalt  }
0x7c: {  	_ =	shalt  }
0x7d: {  	_ =	shalt  }
0x7e: {  	_ =	shalt  }
0x7f: {  	_ =	shalt  }
0x80: {  	_ =	shalt  }
0x81: {  	_ =	shalt  }
0x82: {  	_ =	shalt  }
0x83: {  	_ =	shalt  }
0x84: {  	_ =	shalt  }
0x85: {  	_ =	shalt  }
0x86: {  	_ =	shalt  }
0x87: {  	_ =	shalt  }
.Lfunc_end0:
.L_simem_size_0:
called_computation.1_lowered:
.L_overlay_start_0:
0x88: {  	s2 =	sld [smem:$0x3FD9]  }
0x89: {  	s3 =	sld [smem:$0x3FFE];
	_ =	sdelay $0x1  }
0x8a: {  	s1 =	srdreg.scid  }
0x8b: {  	s0 =	sand.u32 $0x1, s1  }
0x8c: {  	s16 =	sshll.u32 s0, $0xA;
	s2 =	sadd.s32 s3, s2  }
0x8d: {  	s2 =	sadd.s32 s2, s16  }
0x8e: {  	[smem:$0x3FBE] =	sst s2  }
0x8f: {  	_ = 	snop  }
0x90: {  	(tm) =	ssettm $0x1  }
0x91: {  	s17 =	sld [smem:$0x3FFB];
	_ =	sdelay $0x3  }
0x92: {  	_ =	strace s17  }
0x93: {  	s2 =	sld [smem:$0x3FFC];
	_ =	sdelay $0x3  }
0x94: {  	_ =	strace s2  }
0x95: {  	s2 =	sld [smem:$0x3FFD];
	_ =	sdelay $0x3  }
0x96: {  	_ =	strace s2  }
0x97: {  	_ =	strace $0x8FFFFFFF  }
0x98: {  	s18 =	sld [smem:$0x3FDB];
	_ =	sdelay $0x1  }
0x99: {  	s19 =	simm.s32 $_scs_section_size  }
0x9a: {  	s4 =	simm.s32 $_size__tile_overlayer_lowered;
	s5 =	simm.s32 $_tile_overlayer_lowered  }
0x9b: {  	s22 =	simm.s32 $0x1BFF;
	s21 =	sshll.u32 s5, $0x1;
	s2 =	sadd.s32 s19, s18  }
0x9c: {  	s6 =	simm.s32 $0x0;
	s20 =	sshll.u32 s4, $0x1;
	s4 =	sadd.s32 s21, s2  }
0x9d: {  	[timem:s6], [sflag:s22] =	dma.local [hbm:s4], s20  }
0x9e: {  	_ =	swait.ge [sflag:s22], s20  }
0x9f: {  	s3 =	ssub.s32 $0x0, s20;
	[sflag:s22] =	ssyncset.done $0x0  }
0xa0: {  	[sflag:s22] =	ssyncadd.s32 s3;
	_ =	sdelay $0x1  }
0xa1: {  	s23 =	simm.s32 $0x1B8B  }
0xa2: {  	_ =	swait.ge [sflag:s23], $0x1  }
0xa3: {  	[sflag:s23] =	ssyncset.done $0x0  }
0xa4: {  	s25 =	simm.s32 $0x1B8E;
	s24 =	sld [smem:$0x3FFE];
	[sflag:s23] =	ssyncadd.s32 $0xFFFFFFFF  }
0xa5: {  	s26 =	simm.s32 $execute0_lowered;
	[smem:$0x3FD2] =	sst s25  }
0xa6: {  	s4 =	sshll.u32 s26, $0x1;
	_ =	strace $0x80000049;
	[dreg:$0x1] =	wrdreg $0xFFFFFFFF  }
0xa7: {  	s28 =	simm.s32 $_size_execute0_lowered;
	s2 =	sadd.s32 s2, s4;
	[dreg:$0x0] =	wrdreg $0x0  }
0xa8: {  	s4 =	sshll.u32 s28, $0x1;
	[dreg:$0x2] =	wrdreg s2  }
0xa9: {  	[dreg:$0x3] =	wrdreg s4  }
0xaa: {  	[dreg:$0x4] =	wrdreg $0xC0  }
0xab: {  	_ =	task [dreg:s6], $0x5FFFF  }
0xac: {  	[dreg:$0x1] =	wrdreg $0xFFFFFFFF  }
0xad: {  	[dreg:$0x0] =	wrdreg $0x60  }
0xae: {  	[dreg:$0x2] =	wrdreg s24  }
0xaf: {  	[dreg:$0x3] =	wrdreg $0x29000  }
0xb0: {  	[dreg:$0x4] =	wrdreg $0x9  }
0xb1: {  	_ =	task.clear_ibuf [dreg:s6], $0x5FFFF;
	_ =	strace $0x90000049  }
0xb2: {  	s29 =	simm.s32 $0x9;
	_ =	strace $0x8000004B  }
0xb3: {  	_ =	swait.ge [sflag:s29], $0x1  }
0xb4: {  	[sflag:s29] =	ssyncadd.s32 $0xFFFFFFFF  }
0xb5: {  	_ =	strace $0x9000004B  }
0xb6: {  	_ =	sfence  }
0xb7: {  	s30 =	sld [smem:$0x0];
	_ =	sdelay $0x2  }
0xb8: {  	s31 =	sshll.u32 s1, $0xD;
	s1 =	sshrl.u32 s1, $0x2  }
0xb9: {  	s3 =	sand.u32 $0x4000, s31;
	s1 =	sadd.s32 s1, s30  }
0xba: {  	s0 =	sor.u32 s3, s0;
	s1 =	sshll.u32 s1, $0x11  }
0xbb: {  	s0 =	sor.u32 s1, s0  }
0xbc: {  	s0 =	sadd.s32 $0x8F2B, s0  }
0xbd: {  	[sflag:s0] =	ssyncadd.remote.s32 $0x1  }
0xbe: {  	_ =	sfence.sel $0xFFFF  }
0xbf: {  	[dreg:$0x0] =	wrdreg $0xFFFFFFFF;
	(pc) =	sbr.abs _section_cstart, $3  }
0xc0: {  	[dreg:$0x1] =	wrdreg $0xFFFFFFFF  }
0xc1: {  	_ =	task.clear_ibuf [dreg:s6], $0x2FFFF;
	_ =	strace $0x9FFFFFFF  }
0xc2: {  	(tm) =	ssettm $0x7FFFFFFF  }
0xc3: {  	_ =	shalt  }
tec
execute0_lowered:
.L_overlay_start_1:
0x0: {  	(tag) =	ssettag $0x1  }
0x1: {  	s12 =	rddreg [dreg:$0x0]  }
0x2: {  	s1 =	rddreg [dreg:$0x1]  }
0x3: {  	s0 =	rddreg [dreg:$0x2]  }
0x4: {  	s2 =	simm.s32 $0x0;
	s6 =	srdreg.scid;
	s3 =	stileid.u32  }
0x5: {  	s17 =	simm.s32 $0x50;
	s18 =	simm.s32 $0x100;
	s19 =	simm.s32 $0x1  }
0x6: {  	s20 =	simm.s32 $0x0;
	[smem:$0x7FF] =	sst s2;
	s4 =	sadd.s32 $0x3E200, s12  }
0x7: {  	s5 =	sadd.s32 $0x65A00, s12;
	s14 =	sand.u32 $0x1, s6;
	s6 =	sadd.s32 $0x3B400, s12  }
0x8: {  	s10 =	smul.u32 $0x4F000, s3;
	s7 =	sadd.s32 $0x8D200, s12;
	s8 =	sadd.s32 $0xB4A00, s12  }
0x9: {  	s13 =	sshll.u32 s3, $0x6;
	s15 =	smul.u32 $0x9C4, s3;
	_ =	strace $0x8000004A  }
.Ltmp0:
0xa: {  	s9 =	ssub.s32 $0x2, s14;
	p0 =	sne.s32 s14, $0x0;
	(pc) =	sbr.rel .LBB2_1-.Ltmp0, $4  }
0xb: {  	s11 =	sshrl.u32 s9, $0x1;
	s10 =	sshrl.u32 s10, $0x2;
	s12 =	sadd.s32 s15, s12  }
0xc: {  	s15 =	simm.s32 $0x2;
	s11 =	ssub.s32 s9, s11;
	s16 =	sadd.s32 s10, s1  }
0xd: {  	s9 =	sor.u32 $0x1C02, s13;
	s10 =	smul.u32 $0x2780, s3;
	s13 =	sadd.s32 $0x9E00, s12  }
0xe: {  	s11 =	smax.u32 s11, $0x1;
	s14 =	sshrl.u32 s16, $0x3;
	s16 =	simm.s32 $0x80  }
.LBB2_7:
0xf: {  	s22 =	sadd.s32 s21, s13;
	[sflag:s15] =	ssyncadd.s32 $0xFFFFD800  }
0x10: {  	[tilespmem:s2], [sflag:$0x2] =	stream.linear.gather [hbm4b:s22+s2], $0x50, $0x38;
	[tilespmem:$0x16500] =	vst v63  }
0x11: {  	_ =	swait.ge [sflag:s15], $0x50  }
0x12: {  	[sflag:s15] =	ssyncset.done $0x0  }
0x13: {  	s31 =	sadd.s32 s21, s12;
	[sflag:s15] =	ssyncadd.s32 $0xFFFFFFB0  }
0x14: {  	[tilespmem:s16], [sflag:$0x2] =	stream.linear.gather [hbm4b:s31+s2], $0x50, $0x38;
	[tilespmem:$0x16500] =	vst v63  }
0x15: {  	_ =	swait.ge [sflag:s15], $0x50  }
0x16: {  	[sflag:s15] =	ssyncset.done $0x0  }
0x17: {  	[sflag:s15] =	ssyncadd.s32 $0xFFFFFFB0  }
0x18: {  	[tilespmem:s18], [sflag:$0x1] =	stream.indirect.gather [hbm4b:s5+s17], $0x80, s2, s17, $0xb8;
	[tilespmem:$0x16500] =	vst v63  }
0x19: {  	_ =	swait.ge [sflag:s19], $0x2800  }
0x1a: {  	[sflag:s19] =	ssyncset.done $0x0  }
0x1b: {  	[sflag:s19] =	ssyncadd.s32 $0xFFFFD800  }
0x1c: {  	[spmem:s1] =	stream.indirect.scatter.add.f32 [tilespmem:s18], [sflag:$0x2], $0x80, s16, s17, $0xb8;
	[tilespmem:$0x16500] =	vst v63  }
0x1d: {  	_ =	swait.ge [sflag:s15], $0x2800  }
0x1e: {  	[sflag:s15] =	ssyncset.done $0x0  }
0x1f: {  	s21 =	smov.u32 s8;
	[sflag:s15] =	ssyncadd.s32 $0xFFFFD800  }
.LBB2_8:
0x20: {  	s20 =	sadd.s32 $0x1, s20  }
0x21: {  	p1 =	sne.s32 s20, s11  }
.Ltmp1:
0x22: {  	s21 =	sadd.s32 s21, s10;
	[bflag:$0x0] =	sbarrier.arrive $0xFFFF;
	(pc) =	sbr.rel @!p1 .LBB2_9-.Ltmp1, $4  }
0x23: {  	[hbm:s21], [sflag:s9] =	dma.local [spmem:s14], $0x2780  }
0x24: {  	_ =	swait.ge [sflag:s15], $0x2780  }
0x25: {  	[sflag:s15] =	ssyncset.done $0x0  }
0x26: {  	[sflag:s15] =	ssyncadd.s32 $0xFFFFD880  }
.LBB2_1:
0x27: {  	[spmem:s14], [sflag:s9] =	dma.local [hbm:s6], $0x2780  }
.Ltmp2:
0x28: {  	_ =	swait.ge [sflag:s15], $0x2780;
	(pc) =	sbr.rel @p0 .LBB2_5-.Ltmp2, $4  }
0x29: {  	[sflag:s15] =	ssyncset.done $0x0  }
0x2a: {  	[sflag:s15] =	ssyncadd.s32 $0xFFFFD880  }
0x2b: {  	[bflag:$0x0] =	sbarrier.arrive $0xFFFF  }
0x2c: {  	s21 =	sadd.s32 $0x0, s13  }
0x2d: {  	[tilespmem:s2], [sflag:$0x2] =	stream.linear.gather [hbm4b:s21+s2], $0x50, $0x38;
	[tilespmem:$0x16500] =	vst v63  }
0x2e: {  	_ =	swait.ge [sflag:s15], $0x50  }
0x2f: {  	[sflag:s15] =	ssyncset.done $0x0  }
0x30: {  	s31 =	sadd.s32 $0x0, s12;
	[sflag:s15] =	ssyncadd.s32 $0xFFFFFFB0  }
0x31: {  	[tilespmem:s16], [sflag:$0x2] =	stream.linear.gather [hbm4b:s31+s2], $0x50, $0x38;
	[tilespmem:$0x16500] =	vst v63  }
0x32: {  	_ =	swait.ge [sflag:s15], $0x50  }
0x33: {  	[sflag:s15] =	ssyncset.done $0x0  }
0x34: {  	[sflag:s15] =	ssyncadd.s32 $0xFFFFFFB0  }
0x35: {  	[tilespmem:s18], [sflag:$0x1] =	stream.indirect.gather [hbm4b:s4+s17], $0x80, s2, s17, $0xb8;
	[tilespmem:$0x16500] =	vst v63  }
0x36: {  	_ =	swait.ge [sflag:s19], $0x2800  }
0x37: {  	[sflag:s19] =	ssyncset.done $0x0  }
0x38: {  	[sflag:s19] =	ssyncadd.s32 $0xFFFFD800  }
0x39: {  	[spmem:s1] =	stream.indirect.scatter.add.f32 [tilespmem:s18], [sflag:$0x2], $0x80, s16, s17, $0xb8;
	[tilespmem:$0x16500] =	vst v63  }
0x3a: {  	_ =	swait.ge [sflag:s15], $0x2800  }
0x3b: {  	s21 =	simm.s32 $0xA;
	s22 =	simm.s32 $0x14;
	[sflag:s15] =	ssyncset.done $0x0  }
.LBB2_3:
0x3c: {  	s23 =	sadd.s32 s21, s13  }
0x3d: {  	[sflag:s15] =	ssyncadd.s32 $0xFFFFD800;
	s24 =	smov.u32 s22;
	s25 =	sadd.s32 $0xA, s22  }
0x3e: {  	[tilespmem:s2], [sflag:$0x2] =	stream.linear.gather [hbm4b:s23+s2], $0x50, $0x38;
	[tilespmem:$0x16500] =	vst v63  }
0x3f: {  	p1 =	seq.s32 s22, $0x9BA;
	_ =	swait.ge [sflag:s15], $0x50  }
0x40: {  	[sflag:s15] =	ssyncset.done $0x0  }
0x41: {  	s22 =	sadd.s32 s21, s12;
	s21 =	smov.u32 s24;
	[sflag:s15] =	ssyncadd.s32 $0xFFFFFFB0  }
0x42: {  	[tilespmem:s16], [sflag:$0x2] =	stream.linear.gather [hbm4b:s22+s2], $0x50, $0x38;
	[tilespmem:$0x16500] =	vst v63  }
0x43: {  	_ =	swait.ge [sflag:s15], $0x50  }
0x44: {  	[sflag:s15] =	ssyncset.done $0x0  }
0x45: {  	[sflag:s15] =	ssyncadd.s32 $0xFFFFFFB0  }
0x46: {  	[tilespmem:s18], [sflag:$0x1] =	stream.indirect.gather [hbm4b:s4+s17], $0x80, s2, s17, $0xb8;
	[tilespmem:$0x16500] =	vst v63  }
0x47: {  	_ =	swait.ge [sflag:s19], $0x2800  }
.Ltmp3:
0x48: {  	[sflag:s19] =	ssyncset.done $0x0;
	(pc) =	sbr.rel @!p1 .LBB2_3-.Ltmp3, $4  }
0x49: {  	[sflag:s19] =	ssyncadd.s32 $0xFFFFD800  }
0x4a: {  	[spmem:s1] =	stream.indirect.scatter.add.f32 [tilespmem:s18], [sflag:$0x2], $0x80, s16, s17, $0xb8;
	[tilespmem:$0x16500] =	vst v63  }
0x4b: {  	_ =	swait.ge [sflag:s15], $0x2800  }
0x4c: {  	s22 =	smov.u32 s25;
	[sflag:s15] =	ssyncset.done $0x0  }
0x4d: {  	s22 =	sadd.s32 s21, s13;
	[sflag:s15] =	ssyncadd.s32 $0xFFFFD800  }
0x4e: {  	[tilespmem:s2], [sflag:$0x2] =	stream.linear.gather [hbm4b:s22+s2], $0x50, $0x38;
	[tilespmem:$0x16500] =	vst v63  }
0x4f: {  	_ =	swait.ge [sflag:s15], $0x50  }
0x50: {  	[sflag:s15] =	ssyncset.done $0x0  }
0x51: {  	s31 =	sadd.s32 s21, s12;
	[sflag:s15] =	ssyncadd.s32 $0xFFFFFFB0  }
0x52: {  	[tilespmem:s16], [sflag:$0x2] =	stream.linear.gather [hbm4b:s31+s2], $0x50, $0x38;
	[tilespmem:$0x16500] =	vst v63  }
0x53: {  	_ =	swait.ge [sflag:s15], $0x50  }
0x54: {  	[sflag:s15] =	ssyncset.done $0x0  }
0x55: {  	[sflag:s15] =	ssyncadd.s32 $0xFFFFFFB0  }
0x56: {  	[tilespmem:s18], [sflag:$0x1] =	stream.indirect.gather [hbm4b:s4+s17], $0x80, s2, s17, $0xb8;
	[tilespmem:$0x16500] =	vst v63  }
0x57: {  	_ =	swait.ge [sflag:s19], $0x2800  }
0x58: {  	[sflag:s19] =	ssyncset.done $0x0  }
.Ltmp4:
0x59: {  	[sflag:s19] =	ssyncadd.s32 $0xFFFFD800;
	(pc) =	sbr.rel .LBB2_8-.Ltmp4, $4  }
0x5a: {  	[spmem:s1] =	stream.indirect.scatter.add.f32 [tilespmem:s18], [sflag:$0x2], $0x80, s16, s17, $0xb8;
	[tilespmem:$0x16500] =	vst v63  }
0x5b: {  	_ =	swait.ge [sflag:s15], $0x2800  }
0x5c: {  	[sflag:s15] =	ssyncset.done $0x0  }
0x5d: {  	s21 =	smov.u32 s7;
	[sflag:s15] =	ssyncadd.s32 $0xFFFFD800  }
.LBB2_5:
0x5e: {  	[tilespmem:s2], [sflag:$0x2] =	stream.linear.gather [hbm4b:s21+s2], $0x50, $0x38;
	[tilespmem:$0x16500] =	vst v63  }
0x5f: {  	_ =	swait.ge [sflag:s15], $0x50  }
0x60: {  	[sflag:s15] =	ssyncset.done $0x0  }
0x61: {  	s31 =	sadd.s32 $0x0, s12;
	[sflag:s15] =	ssyncadd.s32 $0xFFFFFFB0  }
0x62: {  	[tilespmem:s16], [sflag:$0x2] =	stream.linear.gather [hbm4b:s31+s2], $0x50, $0x38;
	[tilespmem:$0x16500] =	vst v63  }
0x63: {  	_ =	swait.ge [sflag:s15], $0x50  }
0x64: {  	[sflag:s15] =	ssyncset.done $0x0  }
0x65: {  	[sflag:s15] =	ssyncadd.s32 $0xFFFFFFB0  }
0x66: {  	[tilespmem:s18], [sflag:$0x1] =	stream.indirect.gather [hbm4b:s5+s17], $0x80, s2, s17, $0xb8;
	[tilespmem:$0x16500] =	vst v63  }
0x67: {  	_ =	swait.ge [sflag:s19], $0x2800  }
0x68: {  	[sflag:s19] =	ssyncset.done $0x0  }
0x69: {  	[sflag:s19] =	ssyncadd.s32 $0xFFFFD800  }
0x6a: {  	[spmem:s1] =	stream.indirect.scatter.add.f32 [tilespmem:s18], [sflag:$0x2], $0x80, s16, s17, $0xb8;
	[tilespmem:$0x16500] =	vst v63  }
0x6b: {  	_ =	swait.ge [sflag:s15], $0x2800  }
0x6c: {  	s21 =	simm.s32 $0xA;
	s22 =	simm.s32 $0x14;
	[sflag:s15] =	ssyncset.done $0x0  }
.LBB2_6:
0x6d: {  	s23 =	sadd.s32 s21, s13  }
0x6e: {  	[sflag:s15] =	ssyncadd.s32 $0xFFFFD800;
	s24 =	smov.u32 s22;
	s25 =	sadd.s32 $0xA, s22  }
0x6f: {  	[tilespmem:s2], [sflag:$0x2] =	stream.linear.gather [hbm4b:s23+s2], $0x50, $0x38;
	[tilespmem:$0x16500] =	vst v63  }
0x70: {  	p1 =	sne.s32 s22, $0x9BA;
	_ =	swait.ge [sflag:s15], $0x50  }
0x71: {  	[sflag:s15] =	ssyncset.done $0x0  }
0x72: {  	s22 =	sadd.s32 s21, s12;
	s21 =	smov.u32 s24;
	[sflag:s15] =	ssyncadd.s32 $0xFFFFFFB0  }
0x73: {  	[tilespmem:s16], [sflag:$0x2] =	stream.linear.gather [hbm4b:s22+s2], $0x50, $0x38;
	[tilespmem:$0x16500] =	vst v63  }
0x74: {  	_ =	swait.ge [sflag:s15], $0x50  }
0x75: {  	[sflag:s15] =	ssyncset.done $0x0  }
0x76: {  	[sflag:s15] =	ssyncadd.s32 $0xFFFFFFB0  }
0x77: {  	[tilespmem:s18], [sflag:$0x1] =	stream.indirect.gather [hbm4b:s5+s17], $0x80, s2, s17, $0xb8;
	[tilespmem:$0x16500] =	vst v63  }
0x78: {  	_ =	swait.ge [sflag:s19], $0x2800  }
.Ltmp5:
0x79: {  	[sflag:s19] =	ssyncset.done $0x0;
	(pc) =	sbr.rel @p1 .LBB2_6-.Ltmp5, $4  }
0x7a: {  	[sflag:s19] =	ssyncadd.s32 $0xFFFFD800  }
0x7b: {  	[spmem:s1] =	stream.indirect.scatter.add.f32 [tilespmem:s18], [sflag:$0x2], $0x80, s16, s17, $0xb8;
	[tilespmem:$0x16500] =	vst v63  }
0x7c: {  	_ =	swait.ge [sflag:s15], $0x2800  }
0x7d: {  	s22 =	smov.u32 s25;
	[sflag:s15] =	ssyncset.done $0x0  }
.Ltmp6:
0x7e: {  	_ = 	snop;
	(pc) =	sbr.rel .LBB2_7-.Ltmp6, $1  }
0x7f: {  	_ =	sdelay $0x3  }
.LBB2_9:
0x80: {  	_ =	sfence.sel $0x180000  }
0x81: {  	[bflag:$0x0] =	sbarrier.arrive $0xFFFF  }
0x82: {  	p0 =	sne.s32 s3, $0x0;
	_ =	strace $0x9000004A  }
0x83: {  	s0 =	sadd.s32 @!p0 $0x100000, s0;
	[bflag:$0x2] =	sbarrier.arrive $0xFFFF  }
0x84: {  	[sflag:s0] =	ssyncadd.tile.s32 @!p0 $0x1;
	_ =	shalt  }
.Lfunc_end2:
_tile_overlayer_lowered:
.L_overlay_start_2:
0x85: {  	(tag) =	ssettag $0x2  }
0x86: {  	s0 =	rddreg [dreg:$0x0];
	s2 =	stileid.u32  }
0x87: {  	s1 =	rddreg [dreg:$0x1];
	p0 =	sne.s32 s2, $0x0  }
0x88: {  	s3 =	rddreg [dreg:$0x2];
	[bflag:$0x3] =	sbarrier.arrive $0xFFFF;
	s2 =	simm.s32 @!p0 $0x1C02  }
0x89: {  	[timem:s3], [sflag:s2] =	dma.local @!p0 [hbm:s0], s1  }
0x8a: {  	s0 =	simm.s32 @!p0 $0x2  }
0x8b: {  	_ =	swait.ge @!p0 [sflag:s0], s1  }
0x8c: {  	s1 =	ssub.s32 @!p0 $0x0, s1;
	[sflag:s0] =	ssyncset.done @!p0 $0x0  }
0x8d: {  	[sflag:s0] =	ssyncadd.s32 @!p0 s1  }
0x8e: {  	[bflag:$0x3] =	sbarrier.arrive $0xFFFF  }
0x8f: {  	_ =	shalt  }

// kernel: kernel.15.cloned.1.call-start
scs
__scs_entry_jumppad:
0x0: {  	(pc) =	sbr.rel $0x88, $3  }
0x1: {  	(tag) =	ssettag $0x0;
	lr =	simm.s32 $0x1  }
0x2: {  	[smem:$0x3F97] =	sst lr;
	_ =	strace $0xD0000000  }
0x3: {  	_ = 	snop  }
0x4: {  	_ = 	snop  }
0x5: {  	_ = 	snop  }
0x6: {  	_ = 	snop  }
0x7: {  	_ = 	snop  }
__scs_overlays_trampoline_lowered:
0x8: {  	[smem:$0x3FA6] =	sst s0  }
0x9: {  	[smem:$0x3FA7] =	sst s1  }
0xa: {  	[smem:$0x3FA8] =	sst s2  }
0xb: {  	[smem:$0x3FA9] =	sst s3  }
0xc: {  	[smem:$0x3FAA] =	sst s4  }
0xd: {  	[smem:$0x3FAB] =	sst s5  }
0xe: {  	[smem:$0x3FAC] =	sst s6  }
0xf: {  	[smem:$0x3FAD] =	sst s7  }
0x10: {  	[smem:$0x3FAE] =	sst s8  }
0x11: {  	[smem:$0x3FAF] =	sst s9;
	s0 =	simm.s32 @!p0 $0x0  }
0x12: {  	s1 =	sld [smem:$0x3F95];
	s0 =	simm.s32 @p0 $0x1  }
0x13: {  	[smem:$0x3FB0] =	sst s0;
	s0 =	simm.s32 @!p1 $0x0  }
0x14: {  	s2 =	sld [smem:$0x3F94];
	s0 =	simm.s32 @p1 $0x1  }
0x15: {  	[smem:$0x3FB1] =	sst s0;
	s0 =	simm.s32 @!p2 $0x0  }
0x16: {  	s3 =	sld [smem:$0x3FDB];
	s0 =	simm.s32 @p2 $0x1  }
0x17: {  	s4 =	simm.s32 $0x1BF5;
	[smem:$0x3FB3] =	sst s0  }
0x18: {  	s0 =	sld [smem:$0x3F96];
	_ =	swait.ge [sflag:s4], $0x0  }
0x19: {  	s7 =	sld [smem:$0x3F97]  }
0x1a: {  	s8 =	sadd.s32 $0xFFFFE003, lr  }
0x1b: {  	s9 =	sadd.s32 $0xFFFFFEF7, lr;
	s5 =	simm.s32 $0xFFFFFFFF;
	p2 =	slt.u32 s8, $0xFFFFF086  }
0x1c: {  	p1 =	slt.u32 s9, $0xF7A;
	s5 =	simm.s32 @!p2 $0x0  }
0x1d: {  	s5 =	simm.s32 @p1 $0x1;
	p0 =	seq.s32 s7, s2  }
0x1e: {  	s7 =	smul.u32 @!p0 $0xF7A, s2;
	p2 =	seq.s32 @!p0 s5, $0x0  }
0x1f: {  	s9 =	smul.u32 $0xF7A, s1;
	s8 =	simm.s32 @!p0 $0x1BF5;
	p2 =	por !p2, p0  }
0x20: {  	[sflag:s8] =	ssyncset.s32 @!p0 $0xFFFFF086;
	s6 =	sadd.s32 @!p0 s3, s7;
	s7 =	simm.s32 @!p0 $0x108  }
0x21: {  	s3 =	sadd.s32 s3, s9;
	s6 =	sadd.s32 @!p0 $0x88, s6;
	s7 =	simm.s32 @p2 $0x1082  }
0x22: {  	[simem:s7], [sflag:s8] =	dma.local @!p0 [hbm:s6], $0xF7A  }
0x23: {  	s9 =	sor.u32 $0xD0000000, s2;
	s6 =	simm.s32 $0x108;
	_ =	swait.ge @!p0 [sflag:s8], $0x0  }
0x24: {  	s3 =	sadd.s32 $0x88, s3;
	s6 =	simm.s32 @!p1 $0x1082;
	[sflag:s4] =	ssyncset.s32 $0xFFFFF086  }
0x25: {  	[simem:s6], [sflag:s4] =	dma.local [hbm:s3], $0xF7A  }
0x26: {  	[smem:$0x3F97] =	sst s1;
	(tag) =	ssettag s2;
	_ =	strace s9  }
0x27: {  	s1 =	sld [smem:$0x3FA7]  }
0x28: {  	s2 =	sld [smem:$0x3FA8]  }
0x29: {  	s4 =	sld [smem:$0x3FAA]  }
0x2a: {  	p0 =	seq.s32 s5, $0x0;
	s5 =	sld [smem:$0x3FAB]  }
0x2b: {  	s6 =	sld [smem:$0x3FAC]  }
0x2c: {  	s7 =	sld [smem:$0x3FAD]  }
0x2d: {  	s3 =	simm.s32 $0x108;
	s8 =	sld [smem:$0x3FAE]  }
0x2e: {  	s3 =	simm.s32 @!p0 $0x1082;
	s9 =	sld [smem:$0x3FAF]  }
0x2f: {  	lr =	sadd.s32 s0, s3;
	s0 =	sld [smem:$0x3FA6]  }
0x30: {  	s3 =	sld [smem:$0x3FA9]  }
0x31: {  	[smem:$0x3FB2] =	sst s10  }
0x32: {  	s10 =	sld [smem:$0x3FB0];
	_ =	sdelay $0x3  }
0x33: {  	p0 =	seq.s32 s10, $0x1;
	s10 =	sld [smem:$0x3FB2];
	_ =	sdelay $0x3  }
0x34: {  	[smem:$0x3FB2] =	sst s10  }
0x35: {  	s10 =	sld [smem:$0x3FB1];
	_ =	sdelay $0x3  }
0x36: {  	p1 =	seq.s32 s10, $0x1;
	s10 =	sld [smem:$0x3FB2];
	_ =	sdelay $0x3  }
0x37: {  	[smem:$0x3FB2] =	sst s10  }
0x38: {  	s10 =	sld [smem:$0x3FB3]  }
0x39: {  	_ = 	snop;
	(pc) =	sbr.ind lr, $3  }
0x3a: {  	_ = 	snop  }
0x3b: {  	_ = 	snop  }
0x3c: {  	p2 =	seq.s32 s10, $0x1;
	s10 =	sld [smem:$0x3FB2]  }
0x3d: {  	_ =	shalt  }
0x3e: {  	_ =	shalt  }
0x3f: {  	_ =	shalt  }
0x40: {  	_ =	shalt  }
0x41: {  	_ =	shalt  }
0x42: {  	_ =	shalt  }
0x43: {  	_ =	shalt  }
0x44: {  	_ =	shalt  }
0x45: {  	_ =	shalt  }
0x46: {  	_ =	shalt  }
0x47: {  	_ =	shalt  }
0x48: {  	_ =	shalt  }
0x49: {  	_ =	shalt  }
0x4a: {  	_ =	shalt  }
0x4b: {  	_ =	shalt  }
0x4c: {  	_ =	shalt  }
0x4d: {  	_ =	shalt  }
0x4e: {  	_ =	shalt  }
0x4f: {  	_ =	shalt  }
0x50: {  	_ =	shalt  }
0x51: {  	_ =	shalt  }
0x52: {  	_ =	shalt  }
0x53: {  	_ =	shalt  }
0x54: {  	_ =	shalt  }
0x55: {  	_ =	shalt  }
0x56: {  	_ =	shalt  }
0x57: {  	_ =	shalt  }
0x58: {  	_ =	shalt  }
0x59: {  	_ =	shalt  }
0x5a: {  	_ =	shalt  }
0x5b: {  	_ =	shalt  }
0x5c: {  	_ =	shalt  }
0x5d: {  	_ =	shalt  }
0x5e: {  	_ =	shalt  }
0x5f: {  	_ =	shalt  }
0x60: {  	_ =	shalt  }
0x61: {  	_ =	shalt  }
0x62: {  	_ =	shalt  }
0x63: {  	_ =	shalt  }
0x64: {  	_ =	shalt  }
0x65: {  	_ =	shalt  }
0x66: {  	_ =	shalt  }
0x67: {  	_ =	shalt  }
0x68: {  	_ =	shalt  }
0x69: {  	_ =	shalt  }
0x6a: {  	_ =	shalt  }
0x6b: {  	_ =	shalt  }
0x6c: {  	_ =	shalt  }
0x6d: {  	_ =	shalt  }
0x6e: {  	_ =	shalt  }
0x6f: {  	_ =	shalt  }
0x70: {  	_ =	shalt  }
0x71: {  	_ =	shalt  }
0x72: {  	_ =	shalt  }
0x73: {  	_ =	shalt  }
0x74: {  	_ =	shalt  }
0x75: {  	_ =	shalt  }
0x76: {  	_ =	shalt  }
0x77: {  	_ =	shalt  }
0x78: {  	_ =	shalt  }
0x79: {  	_ =	shalt  }
0x7a: {  	_ =	shalt  }
0x7b: {  	_ =	shalt  }
0x7c: {  	_ =	shalt  }
0x7d: {  	_ =	shalt  }
0x7e: {  	_ =	shalt  }
0x7f: {  	_ =	shalt  }
0x80: {  	_ =	shalt  }
0x81: {  	_ =	shalt  }
0x82: {  	_ =	shalt  }
0x83: {  	_ =	shalt  }
0x84: {  	_ =	shalt  }
0x85: {  	_ =	shalt  }
0x86: {  	_ =	shalt  }
0x87: {  	_ =	shalt  }
.Lfunc_end0:
.L_simem_size_0:
called_computation.2_lowered:
.L_overlay_start_0:
0x88: {  	s2 =	sld [smem:$0x3FD9]  }
0x89: {  	s3 =	sld [smem:$0x3FFE];
	_ =	sdelay $0x1  }
0x8a: {  	s1 =	srdreg.scid  }
0x8b: {  	s0 =	sand.u32 $0x1, s1  }
0x8c: {  	s16 =	sshll.u32 s0, $0xA;
	s2 =	sadd.s32 s3, s2  }
0x8d: {  	s2 =	sadd.s32 s2, s16  }
0x8e: {  	[smem:$0x3FBE] =	sst s2  }
0x8f: {  	_ = 	snop  }
0x90: {  	(tm) =	ssettm $0x1  }
0x91: {  	s17 =	sld [smem:$0x3FFB];
	_ =	sdelay $0x3  }
0x92: {  	_ =	strace s17  }
0x93: {  	s2 =	sld [smem:$0x3FFC];
	_ =	sdelay $0x3  }
0x94: {  	_ =	strace s2  }
0x95: {  	s2 =	sld [smem:$0x3FFD];
	_ =	sdelay $0x3  }
0x96: {  	_ =	strace s2  }
0x97: {  	_ =	strace $0x8FFFFFFF  }
0x98: {  	s18 =	sld [smem:$0x3FDB];
	_ =	sdelay $0x1  }
0x99: {  	s19 =	simm.s32 $_scs_section_size  }
0x9a: {  	s4 =	simm.s32 $_size__tile_overlayer_lowered;
	s5 =	simm.s32 $_tile_overlayer_lowered  }
0x9b: {  	s22 =	simm.s32 $0x1BFF;
	s21 =	sshll.u32 s5, $0x1;
	s2 =	sadd.s32 s19, s18  }
0x9c: {  	s6 =	simm.s32 $0x0;
	s20 =	sshll.u32 s4, $0x1;
	s4 =	sadd.s32 s21, s2  }
0x9d: {  	[timem:s6], [sflag:s22] =	dma.local [hbm:s4], s20  }
0x9e: {  	_ =	swait.ge [sflag:s22], s20  }
0x9f: {  	s3 =	ssub.s32 $0x0, s20;
	[sflag:s22] =	ssyncset.done $0x0  }
0xa0: {  	[sflag:s22] =	ssyncadd.s32 s3;
	_ =	sdelay $0x1  }
0xa1: {  	s23 =	simm.s32 $0x1B8B  }
0xa2: {  	_ =	swait.ge [sflag:s23], $0x1  }
0xa3: {  	[sflag:s23] =	ssyncset.done $0x0  }
0xa4: {  	s25 =	simm.s32 $0x1B8E;
	s24 =	sld [smem:$0x3FFE];
	[sflag:s23] =	ssyncadd.s32 $0xFFFFFFFF  }
0xa5: {  	s26 =	simm.s32 $execute0_lowered;
	[smem:$0x3FD2] =	sst s25  }
0xa6: {  	s4 =	sshll.u32 s26, $0x1;
	_ =	strace $0x8000004C;
	[dreg:$0x1] =	wrdreg $0xFFFFFFFF  }
0xa7: {  	s28 =	simm.s32 $_size_execute0_lowered;
	s2 =	sadd.s32 s2, s4;
	[dreg:$0x0] =	wrdreg $0x0  }
0xa8: {  	s4 =	sshll.u32 s28, $0x1;
	[dreg:$0x2] =	wrdreg s2  }
0xa9: {  	[dreg:$0x3] =	wrdreg s4  }
0xaa: {  	[dreg:$0x4] =	wrdreg $0xC0  }
0xab: {  	_ =	task [dreg:s6], $0x5FFFF  }
0xac: {  	[dreg:$0x1] =	wrdreg $0xFFFFFFFF  }
0xad: {  	[dreg:$0x0] =	wrdreg $0x60  }
0xae: {  	[dreg:$0x2] =	wrdreg s24  }
0xaf: {  	[dreg:$0x3] =	wrdreg $0x9  }
0xb0: {  	_ =	task.clear_ibuf [dreg:s6], $0x4FFFF;
	_ =	strace $0x9000004C  }
0xb1: {  	s29 =	simm.s32 $0x9;
	_ =	strace $0x8000004E  }
0xb2: {  	_ =	swait.ge [sflag:s29], $0x1  }
0xb3: {  	[sflag:s29] =	ssyncadd.s32 $0xFFFFFFFF  }
0xb4: {  	_ =	strace $0x9000004E  }
0xb5: {  	_ =	sfence  }
0xb6: {  	s30 =	sld [smem:$0x0];
	_ =	sdelay $0x2  }
0xb7: {  	s31 =	sshll.u32 s1, $0xD;
	s1 =	sshrl.u32 s1, $0x2  }
0xb8: {  	s3 =	sand.u32 $0x4000, s31;
	s1 =	sadd.s32 s1, s30  }
0xb9: {  	s0 =	sor.u32 s3, s0;
	s1 =	sshll.u32 s1, $0x11  }
0xba: {  	s0 =	sor.u32 s1, s0  }
0xbb: {  	s0 =	sadd.s32 $0x8F2B, s0  }
0xbc: {  	[sflag:s0] =	ssyncadd.remote.s32 $0x1  }
0xbd: {  	_ =	sfence.sel $0xFFFF  }
0xbe: {  	[dreg:$0x0] =	wrdreg $0xFFFFFFFF;
	(pc) =	sbr.abs _section_cstart, $3  }
0xbf: {  	[dreg:$0x1] =	wrdreg $0xFFFFFFFF  }
0xc0: {  	_ =	task.clear_ibuf [dreg:s6], $0x2FFFF;
	_ =	strace $0x9FFFFFFF  }
0xc1: {  	(tm) =	ssettm $0x7FFFFFFF  }
tec
execute0_lowered:
.L_overlay_start_1:
0x0: {  	(tag) =	ssettag $0x1  }
0x1: {  	s1 =	srdreg.scid;
	s0 =	stileid.u32  }
0x2: {  	s6 =	sand.u32 $0x1, s1;
	s31 =	sshll.u32 s0, $0x1  }
0x3: {  	s7 =	sor.u32 s6, s31  }
0x4: {  	s2 =	rddreg [dreg:$0x0];
	s3 =	simm.s32 $0x0;
	s4 =	smul.u32 $0xA, s7  }
0x5: {  	s8 =	simm.s32 $0x1;
	[smem:$0x7FF] =	sst s3  }
0x6: {  	s1 =	rddreg [dreg:$0x1];
	_ =	strace $0x8000004D;
	s4 =	sadd.s32 s4, s2  }
0x7: {  	s10 =	ssub.s32 $0x2, s6;
	s5 =	sadd.s32 $0x27800, s4;
	s4 =	simm.s32 $0x2  }
0x8: {  	[tilespmem:s3], [sflag:$0x2] =	stream.linear.gather [hbm4b:s5+s3], $0x50, $0x38;
	[tilespmem:$0x2880] =	vst v63  }
0x9: {  	s6 =	simm.s32 $0x50;
	s11 =	sshrl.u32 s10, $0x1;
	_ =	swait.ge [sflag:s4], $0x50  }
0xa: {  	s9 =	smul.u32 $0x500, s7;
	s10 =	ssub.s32 s10, s11;
	[sflag:s4] =	ssyncset.done $0x0  }
0xb: {  	s7 =	simm.s32 $0x80;
	s10 =	smax.u32 s10, $0x1;
	[sflag:s4] =	ssyncadd.s32 $0xFFFFFFB0  }
0xc: {  	[tilespmem:s7], [sflag:$0x1] =	stream.indirect.gather [hbm4b:s2+s6], $0x80, s3, s6, $0xb8;
	[tilespmem:$0x2880] =	vst v63  }
0xd: {  	p0 =	sne.s32 s10, $0x1;
	_ =	swait.ge [sflag:s8], $0x2800  }
.Ltmp0:
0xe: {  	s9 =	sadd.s32 s9, s2;
	[sflag:s8] =	ssyncset.done $0x0;
	(pc) =	sbr.rel @!p0 .LBB2_2-.Ltmp0, $4  }
0xf: {  	s9 =	sadd.s32 $0x27A00, s9;
	[sflag:s8] =	ssyncadd.s32 $0xFFFFD800  }
0x10: {  	[hbm4b:s9+s3] =	stream.linear.scatter [tilespmem:s7], [sflag:$0x2], $0x2800, $0x38;
	[tilespmem:$0x2880] =	vst v63  }
0x11: {  	_ =	swait.ge [sflag:s4], $0x2800  }
0x12: {  	s10 =	sadd.s32 $0xFFFFFFFF, s10;
	[sflag:s4] =	ssyncset.done $0x0  }
.LBB2_1:
0x13: {  	p0 =	sne.s32 s10, $0x1;
	s10 =	sadd.s32 $0xFFFFFFFF, s10;
	[sflag:s4] =	ssyncadd.s32 $0xFFFFD800  }
0x14: {  	[tilespmem:s3], [sflag:$0x2] =	stream.linear.gather [hbm4b:s5+s3], $0x50, $0x38;
	[tilespmem:$0x2880] =	vst v63  }
0x15: {  	_ =	swait.ge [sflag:s4], $0x50  }
0x16: {  	[sflag:s4] =	ssyncset.done $0x0  }
0x17: {  	[sflag:s4] =	ssyncadd.s32 $0xFFFFFFB0  }
0x18: {  	[tilespmem:s7], [sflag:$0x1] =	stream.indirect.gather [hbm4b:s2+s6], $0x80, s3, s6, $0xb8;
	[tilespmem:$0x2880] =	vst v63  }
0x19: {  	_ =	swait.ge [sflag:s8], $0x2800  }
.Ltmp1:
0x1a: {  	[sflag:s8] =	ssyncset.done $0x0;
	(pc) =	sbr.rel @p0 .LBB2_1-.Ltmp1, $4  }
0x1b: {  	[sflag:s8] =	ssyncadd.s32 $0xFFFFD800  }
0x1c: {  	[hbm4b:s9+s3] =	stream.linear.scatter [tilespmem:s7], [sflag:$0x2], $0x2800, $0x38;
	[tilespmem:$0x2880] =	vst v63  }
0x1d: {  	_ =	swait.ge [sflag:s4], $0x2800  }
0x1e: {  	[sflag:s4] =	ssyncset.done $0x0  }
.LBB2_2:
0x1f: {  	[sflag:s4] =	ssyncadd.s32 $0xFFFFD800  }
0x20: {  	_ =	sfence.sel $0x180000  }
0x21: {  	[bflag:$0x0] =	sbarrier.arrive $0xFFFF  }
0x22: {  	p0 =	sne.s32 s0, $0x0;
	_ =	strace $0x9000004D  }
0x23: {  	s0 =	sadd.s32 @!p0 $0x100000, s1;
	[bflag:$0x2] =	sbarrier.arrive $0xFFFF  }
0x24: {  	[sflag:s0] =	ssyncadd.tile.s32 @!p0 $0x1;
	_ =	shalt  }
.Lfunc_end2:
_tile_overlayer_lowered:
.L_overlay_start_2:
0x25: {  	(tag) =	ssettag $0x2  }
0x26: {  	s0 =	rddreg [dreg:$0x0];
	s2 =	stileid.u32  }
0x27: {  	s1 =	rddreg [dreg:$0x1];
	p0 =	sne.s32 s2, $0x0  }
0x28: {  	s3 =	rddreg [dreg:$0x2];
	[bflag:$0x3] =	sbarrier.arrive $0xFFFF;
	s2 =	simm.s32 @!p0 $0x1C02  }
0x29: {  	[timem:s3], [sflag:s2] =	dma.local @!p0 [hbm:s0], s1  }
0x2a: {  	s0 =	simm.s32 @!p0 $0x2  }
0x2b: {  	_ =	swait.ge @!p0 [sflag:s0], s1  }
0x2c: {  	s1 =	ssub.s32 @!p0 $0x0, s1;
	[sflag:s0] =	ssyncset.done @!p0 $0x0  }
0x2d: {  	[sflag:s0] =	ssyncadd.s32 @!p0 s1  }
0x2e: {  	[bflag:$0x3] =	sbarrier.arrive $0xFFFF  }
0x2f: {  	_ =	shalt  }

// kernel: kernel.9.cloned.1.call-start
scs
__scs_entry_jumppad:
0x0: {  	(pc) =	sbr.rel $0x88, $3  }
0x1: {  	(tag) =	ssettag $0x0;
	lr =	simm.s32 $0x1  }
0x2: {  	[smem:$0x3F97] =	sst lr;
	_ =	strace $0xD0000000  }
0x3: {  	_ = 	snop  }
0x4: {  	_ = 	snop  }
0x5: {  	_ = 	snop  }
0x6: {  	_ = 	snop  }
0x7: {  	_ = 	snop  }
__scs_overlays_trampoline_lowered:
0x8: {  	[smem:$0x3FA6] =	sst s0  }
0x9: {  	[smem:$0x3FA7] =	sst s1  }
0xa: {  	[smem:$0x3FA8] =	sst s2  }
0xb: {  	[smem:$0x3FA9] =	sst s3  }
0xc: {  	[smem:$0x3FAA] =	sst s4  }
0xd: {  	[smem:$0x3FAB] =	sst s5  }
0xe: {  	[smem:$0x3FAC] =	sst s6  }
0xf: {  	[smem:$0x3FAD] =	sst s7  }
0x10: {  	[smem:$0x3FAE] =	sst s8  }
0x11: {  	[smem:$0x3FAF] =	sst s9;
	s0 =	simm.s32 @!p0 $0x0  }
0x12: {  	s1 =	sld [smem:$0x3F95];
	s0 =	simm.s32 @p0 $0x1  }
0x13: {  	[smem:$0x3FB0] =	sst s0;
	s0 =	simm.s32 @!p1 $0x0  }
0x14: {  	s2 =	sld [smem:$0x3F94];
	s0 =	simm.s32 @p1 $0x1  }
0x15: {  	[smem:$0x3FB1] =	sst s0;
	s0 =	simm.s32 @!p2 $0x0  }
0x16: {  	s3 =	sld [smem:$0x3FDB];
	s0 =	simm.s32 @p2 $0x1  }
0x17: {  	s4 =	simm.s32 $0x1BF5;
	[smem:$0x3FB3] =	sst s0  }
0x18: {  	s0 =	sld [smem:$0x3F96];
	_ =	swait.ge [sflag:s4], $0x0  }
0x19: {  	s7 =	sld [smem:$0x3F97]  }
0x1a: {  	s8 =	sadd.s32 $0xFFFFE003, lr  }
0x1b: {  	s9 =	sadd.s32 $0xFFFFFEF7, lr;
	s5 =	simm.s32 $0xFFFFFFFF;
	p2 =	slt.u32 s8, $0xFFFFF086  }
0x1c: {  	p1 =	slt.u32 s9, $0xF7A;
	s5 =	simm.s32 @!p2 $0x0  }
0x1d: {  	s5 =	simm.s32 @p1 $0x1;
	p0 =	seq.s32 s7, s2  }
0x1e: {  	s7 =	smul.u32 @!p0 $0xF7A, s2;
	p2 =	seq.s32 @!p0 s5, $0x0  }
0x1f: {  	s9 =	smul.u32 $0xF7A, s1;
	s8 =	simm.s32 @!p0 $0x1BF5;
	p2 =	por !p2, p0  }
0x20: {  	[sflag:s8] =	ssyncset.s32 @!p0 $0xFFFFF086;
	s6 =	sadd.s32 @!p0 s3, s7;
	s7 =	simm.s32 @!p0 $0x108  }
0x21: {  	s3 =	sadd.s32 s3, s9;
	s6 =	sadd.s32 @!p0 $0x88, s6;
	s7 =	simm.s32 @p2 $0x1082  }
0x22: {  	[simem:s7], [sflag:s8] =	dma.local @!p0 [hbm:s6], $0xF7A  }
0x23: {  	s9 =	sor.u32 $0xD0000000, s2;
	s6 =	simm.s32 $0x108;
	_ =	swait.ge @!p0 [sflag:s8], $0x0  }
0x24: {  	s3 =	sadd.s32 $0x88, s3;
	s6 =	simm.s32 @!p1 $0x1082;
	[sflag:s4] =	ssyncset.s32 $0xFFFFF086  }
0x25: {  	[simem:s6], [sflag:s4] =	dma.local [hbm:s3], $0xF7A  }
0x26: {  	[smem:$0x3F97] =	sst s1;
	(tag) =	ssettag s2;
	_ =	strace s9  }
0x27: {  	s1 =	sld [smem:$0x3FA7]  }
0x28: {  	s2 =	sld [smem:$0x3FA8]  }
0x29: {  	s4 =	sld [smem:$0x3FAA]  }
0x2a: {  	p0 =	seq.s32 s5, $0x0;
	s5 =	sld [smem:$0x3FAB]  }
0x2b: {  	s6 =	sld [smem:$0x3FAC]  }
0x2c: {  	s7 =	sld [smem:$0x3FAD]  }
0x2d: {  	s3 =	simm.s32 $0x108;
	s8 =	sld [smem:$0x3FAE]  }
0x2e: {  	s3 =	simm.s32 @!p0 $0x1082;
	s9 =	sld [smem:$0x3FAF]  }
0x2f: {  	lr =	sadd.s32 s0, s3;
	s0 =	sld [smem:$0x3FA6]  }
0x30: {  	s3 =	sld [smem:$0x3FA9]  }
0x31: {  	[smem:$0x3FB2] =	sst s10  }
0x32: {  	s10 =	sld [smem:$0x3FB0];
	_ =	sdelay $0x3  }
0x33: {  	p0 =	seq.s32 s10, $0x1;
	s10 =	sld [smem:$0x3FB2];
	_ =	sdelay $0x3  }
0x34: {  	[smem:$0x3FB2] =	sst s10  }
0x35: {  	s10 =	sld [smem:$0x3FB1];
	_ =	sdelay $0x3  }
0x36: {  	p1 =	seq.s32 s10, $0x1;
	s10 =	sld [smem:$0x3FB2];
	_ =	sdelay $0x3  }
0x37: {  	[smem:$0x3FB2] =	sst s10  }
0x38: {  	s10 =	sld [smem:$0x3FB3]  }
0x39: {  	_ = 	snop;
	(pc) =	sbr.ind lr, $3  }
0x3a: {  	_ = 	snop  }
0x3b: {  	_ = 	snop  }
0x3c: {  	p2 =	seq.s32 s10, $0x1;
	s10 =	sld [smem:$0x3FB2]  }
0x3d: {  	_ =	shalt  }
0x3e: {  	_ =	shalt  }
0x3f: {  	_ =	shalt  }
0x40: {  	_ =	shalt  }
0x41: {  	_ =	shalt  }
0x42: {  	_ =	shalt  }
0x43: {  	_ =	shalt  }
0x44: {  	_ =	shalt  }
0x45: {  	_ =	shalt  }
0x46: {  	_ =	shalt  }
0x47: {  	_ =	shalt  }
0x48: {  	_ =	shalt  }
0x49: {  	_ =	shalt  }
0x4a: {  	_ =	shalt  }
0x4b: {  	_ =	shalt  }
0x4c: {  	_ =	shalt  }
0x4d: {  	_ =	shalt  }
0x4e: {  	_ =	shalt  }
0x4f: {  	_ =	shalt  }
0x50: {  	_ =	shalt  }
0x51: {  	_ =	shalt  }
0x52: {  	_ =	shalt  }
0x53: {  	_ =	shalt  }
0x54: {  	_ =	shalt  }
0x55: {  	_ =	shalt  }
0x56: {  	_ =	shalt  }
0x57: {  	_ =	shalt  }
0x58: {  	_ =	shalt  }
0x59: {  	_ =	shalt  }
0x5a: {  	_ =	shalt  }
0x5b: {  	_ =	shalt  }
0x5c: {  	_ =	shalt  }
0x5d: {  	_ =	shalt  }
0x5e: {  	_ =	shalt  }
0x5f: {  	_ =	shalt  }
0x60: {  	_ =	shalt  }
0x61: {  	_ =	shalt  }
0x62: {  	_ =	shalt  }
0x63: {  	_ =	shalt  }
0x64: {  	_ =	shalt  }
0x65: {  	_ =	shalt  }
0x66: {  	_ =	shalt  }
0x67: {  	_ =	shalt  }
0x68: {  	_ =	shalt  }
0x69: {  	_ =	shalt  }
0x6a: {  	_ =	shalt  }
0x6b: {  	_ =	shalt  }
0x6c: {  	_ =	shalt  }
0x6d: {  	_ =	shalt  }
0x6e: {  	_ =	shalt  }
0x6f: {  	_ =	shalt  }
0x70: {  	_ =	shalt  }
0x71: {  	_ =	shalt  }
0x72: {  	_ =	shalt  }
0x73: {  	_ =	shalt  }
0x74: {  	_ =	shalt  }
0x75: {  	_ =	shalt  }
0x76: {  	_ =	shalt  }
0x77: {  	_ =	shalt  }
0x78: {  	_ =	shalt  }
0x79: {  	_ =	shalt  }
0x7a: {  	_ =	shalt  }
0x7b: {  	_ =	shalt  }
0x7c: {  	_ =	shalt  }
0x7d: {  	_ =	shalt  }
0x7e: {  	_ =	shalt  }
0x7f: {  	_ =	shalt  }
0x80: {  	_ =	shalt  }
0x81: {  	_ =	shalt  }
0x82: {  	_ =	shalt  }
0x83: {  	_ =	shalt  }
0x84: {  	_ =	shalt  }
0x85: {  	_ =	shalt  }
0x86: {  	_ =	shalt  }
0x87: {  	_ =	shalt  }
.Lfunc_end0:
.L_simem_size_0:
called_computation_lowered:
.L_overlay_start_0:
0x88: {  	s2 =	sld [smem:$0x3FD9]  }
0x89: {  	s3 =	sld [smem:$0x3FFE];
	_ =	sdelay $0x1  }
0x8a: {  	s1 =	srdreg.scid  }
0x8b: {  	s0 =	sand.u32 $0x1, s1  }
0x8c: {  	s16 =	sshll.u32 s0, $0xA;
	s2 =	sadd.s32 s3, s2  }
0x8d: {  	s2 =	sadd.s32 s2, s16  }
0x8e: {  	[smem:$0x3FBE] =	sst s2  }
0x8f: {  	_ = 	snop  }
0x90: {  	(tm) =	ssettm $0x1  }
0x91: {  	s17 =	sld [smem:$0x3FFB];
	_ =	sdelay $0x3  }
0x92: {  	_ =	strace s17  }
0x93: {  	s2 =	sld [smem:$0x3FFC];
	_ =	sdelay $0x3  }
0x94: {  	_ =	strace s2  }
0x95: {  	s2 =	sld [smem:$0x3FFD];
	_ =	sdelay $0x3  }
0x96: {  	_ =	strace s2  }
0x97: {  	_ =	strace $0x8FFFFFFF  }
0x98: {  	s18 =	sld [smem:$0x3FDB];
	_ =	sdelay $0x1  }
0x99: {  	s19 =	simm.s32 $_scs_section_size  }
0x9a: {  	s4 =	simm.s32 $_size__tile_overlayer_lowered;
	s5 =	simm.s32 $_tile_overlayer_lowered  }
0x9b: {  	s22 =	simm.s32 $0x1BFF;
	s21 =	sshll.u32 s5, $0x1;
	s2 =	sadd.s32 s19, s18  }
0x9c: {  	s6 =	simm.s32 $0x0;
	s20 =	sshll.u32 s4, $0x1;
	s4 =	sadd.s32 s21, s2  }
0x9d: {  	[timem:s6], [sflag:s22] =	dma.local [hbm:s4], s20  }
0x9e: {  	_ =	swait.ge [sflag:s22], s20  }
0x9f: {  	s3 =	ssub.s32 $0x0, s20;
	[sflag:s22] =	ssyncset.done $0x0  }
0xa0: {  	[sflag:s22] =	ssyncadd.s32 s3;
	_ =	sdelay $0x1  }
0xa1: {  	s23 =	simm.s32 $0x1B8B  }
0xa2: {  	_ =	swait.ge [sflag:s23], $0x1  }
0xa3: {  	[sflag:s23] =	ssyncset.done $0x0  }
0xa4: {  	s25 =	simm.s32 $0x1B8E;
	s24 =	sld [smem:$0x3FFE];
	[sflag:s23] =	ssyncadd.s32 $0xFFFFFFFF  }
0xa5: {  	s26 =	simm.s32 $execute0_lowered;
	[smem:$0x3FD2] =	sst s25  }
0xa6: {  	s4 =	sshll.u32 s26, $0x1;
	_ =	strace $0x80000046;
	[dreg:$0x1] =	wrdreg $0xFFFFFFFF  }
0xa7: {  	s28 =	simm.s32 $_size_execute0_lowered;
	s2 =	sadd.s32 s2, s4;
	[dreg:$0x0] =	wrdreg $0x0  }
0xa8: {  	s4 =	sshll.u32 s28, $0x1;
	[dreg:$0x2] =	wrdreg s2  }
0xa9: {  	[dreg:$0x3] =	wrdreg s4  }
0xaa: {  	[dreg:$0x4] =	wrdreg $0xC0  }
0xab: {  	_ =	task [dreg:s6], $0x5FFFF  }
0xac: {  	[dreg:$0x1] =	wrdreg $0xFFFFFFFF  }
0xad: {  	[dreg:$0x0] =	wrdreg $0x60  }
0xae: {  	[dreg:$0x2] =	wrdreg s24  }
0xaf: {  	[dreg:$0x3] =	wrdreg $0x29000  }
0xb0: {  	[dreg:$0x4] =	wrdreg $0x9  }
0xb1: {  	_ =	task.clear_ibuf [dreg:s6], $0x5FFFF;
	_ =	strace $0x90000046  }
0xb2: {  	s29 =	simm.s32 $0x9;
	_ =	strace $0x80000048  }
0xb3: {  	_ =	swait.ge [sflag:s29], $0x1  }
0xb4: {  	[sflag:s29] =	ssyncadd.s32 $0xFFFFFFFF  }
0xb5: {  	_ =	strace $0x90000048  }
0xb6: {  	_ =	sfence  }
0xb7: {  	s30 =	sld [smem:$0x0];
	_ =	sdelay $0x2  }
0xb8: {  	s31 =	sshll.u32 s1, $0xD;
	s1 =	sshrl.u32 s1, $0x2  }
0xb9: {  	s3 =	sand.u32 $0x4000, s31;
	s1 =	sadd.s32 s1, s30  }
0xba: {  	s0 =	sor.u32 s3, s0;
	s1 =	sshll.u32 s1, $0x11  }
0xbb: {  	s0 =	sor.u32 s1, s0  }
0xbc: {  	s0 =	sadd.s32 $0x8F2B, s0  }
0xbd: {  	[sflag:s0] =	ssyncadd.remote.s32 $0x1  }
0xbe: {  	_ =	sfence.sel $0xFFFF  }
0xbf: {  	[dreg:$0x0] =	wrdreg $0xFFFFFFFF;
	(pc) =	sbr.abs _section_cstart, $3  }
0xc0: {  	[dreg:$0x1] =	wrdreg $0xFFFFFFFF  }
0xc1: {  	_ =	task.clear_ibuf [dreg:s6], $0x2FFFF;
	_ =	strace $0x9FFFFFFF  }
0xc2: {  	(tm) =	ssettm $0x7FFFFFFF  }
0xc3: {  	_ =	shalt  }
tec
execute0_lowered:
.L_overlay_start_1:
0x0: {  	(tag) =	ssettag $0x1  }
0x1: {  	s12 =	rddreg [dreg:$0x0]  }
0x2: {  	s1 =	rddreg [dreg:$0x1]  }
0x3: {  	s0 =	rddreg [dreg:$0x2]  }
0x4: {  	s2 =	simm.s32 $0x0;
	s6 =	srdreg.scid;
	s3 =	stileid.u32  }
0x5: {  	s17 =	simm.s32 $0x50;
	s18 =	simm.s32 $0x100;
	s19 =	simm.s32 $0x1  }
0x6: {  	s20 =	simm.s32 $0x0;
	[smem:$0x7FF] =	sst s2;
	s4 =	sadd.s32 $0x13C00, s12  }
0x7: {  	s5 =	sadd.s32 $0x3B400, s12;
	s14 =	sand.u32 $0x1, s6;
	s6 =	sadd.s32 $0x3DC00, s12  }
0x8: {  	s10 =	smul.u32 $0x4F000, s3;
	s7 =	sadd.s32 $0x3E200, s12;
	s8 =	sadd.s32 $0x65A00, s12  }
0x9: {  	s13 =	sshll.u32 s3, $0x6;
	s15 =	smul.u32 $0x9C4, s3;
	_ =	strace $0x80000047  }
.Ltmp0:
0xa: {  	s9 =	ssub.s32 $0x2, s14;
	p0 =	sne.s32 s14, $0x0;
	(pc) =	sbr.rel .LBB2_1-.Ltmp0, $4  }
0xb: {  	s11 =	sshrl.u32 s9, $0x1;
	s10 =	sshrl.u32 s10, $0x2;
	s12 =	sadd.s32 s15, s12  }
0xc: {  	s15 =	simm.s32 $0x2;
	s11 =	ssub.s32 s9, s11;
	s16 =	sadd.s32 s10, s1  }
0xd: {  	s9 =	sor.u32 $0x1C02, s13;
	s10 =	smul.u32 $0x2780, s3;
	s13 =	sadd.s32 $0x9E00, s12  }
0xe: {  	s11 =	smax.u32 s11, $0x1;
	s14 =	sshrl.u32 s16, $0x3;
	s16 =	simm.s32 $0x80  }
.LBB2_7:
0xf: {  	s21 =	sadd.s32 s21, s12;
	[sflag:s15] =	ssyncadd.s32 $0xFFFFD800  }
0x10: {  	[tilespmem:s16], [sflag:$0x2] =	stream.linear.gather [hbm4b:s21+s2], $0x50, $0x38;
	[tilespmem:$0x16500] =	vst v63  }
0x11: {  	_ =	swait.ge [sflag:s15], $0x50  }
0x12: {  	[sflag:s15] =	ssyncset.done $0x0  }
0x13: {  	[sflag:s15] =	ssyncadd.s32 $0xFFFFFFB0  }
0x14: {  	[spmem:s1] =	stream.indirect.scatter.add.f32 [tilespmem:s18], [sflag:$0x2], $0x80, s16, s17, $0xb8;
	[tilespmem:$0x16500] =	vst v63  }
0x15: {  	_ =	swait.ge [sflag:s15], $0x2800  }
0x16: {  	[sflag:s15] =	ssyncset.done $0x0  }
0x17: {  	s21 =	smov.u32 s8;
	[sflag:s15] =	ssyncadd.s32 $0xFFFFD800  }
.LBB2_8:
0x18: {  	s20 =	sadd.s32 $0x1, s20  }
0x19: {  	p1 =	sne.s32 s20, s11  }
.Ltmp1:
0x1a: {  	s21 =	sadd.s32 s21, s10;
	[bflag:$0x0] =	sbarrier.arrive $0xFFFF;
	(pc) =	sbr.rel @!p1 .LBB2_9-.Ltmp1, $4  }
0x1b: {  	[hbm:s21], [sflag:s9] =	dma.local [spmem:s14], $0x2780  }
0x1c: {  	_ =	swait.ge [sflag:s15], $0x2780  }
0x1d: {  	[sflag:s15] =	ssyncset.done $0x0  }
0x1e: {  	[sflag:s15] =	ssyncadd.s32 $0xFFFFD880  }
.LBB2_1:
0x1f: {  	[spmem:s14], [sflag:s9] =	dma.local [hbm:s5], $0x2780  }
.Ltmp2:
0x20: {  	_ =	swait.ge [sflag:s15], $0x2780;
	(pc) =	sbr.rel @p0 .LBB2_5-.Ltmp2, $3  }
0x21: {  	[sflag:s15] =	ssyncset.done $0x0  }
0x22: {  	[sflag:s15] =	ssyncadd.s32 $0xFFFFD880  }
0x23: {  	[bflag:$0x0] =	sbarrier.arrive $0xFFFF;
	_ =	sdelay $0x1  }
0x24: {  	s21 =	sadd.s32 $0x0, s13  }
0x25: {  	[tilespmem:s2], [sflag:$0x2] =	stream.linear.gather [hbm4b:s21+s2], $0x50, $0x38;
	[tilespmem:$0x16500] =	vst v63  }
0x26: {  	_ =	swait.ge [sflag:s15], $0x50  }
0x27: {  	[sflag:s15] =	ssyncset.done $0x0  }
0x28: {  	s31 =	sadd.s32 $0x0, s12;
	[sflag:s15] =	ssyncadd.s32 $0xFFFFFFB0  }
0x29: {  	[tilespmem:s16], [sflag:$0x2] =	stream.linear.gather [hbm4b:s31+s2], $0x50, $0x38;
	[tilespmem:$0x16500] =	vst v63  }
0x2a: {  	_ =	swait.ge [sflag:s15], $0x50  }
0x2b: {  	[sflag:s15] =	ssyncset.done $0x0  }
0x2c: {  	[sflag:s15] =	ssyncadd.s32 $0xFFFFFFB0  }
0x2d: {  	[tilespmem:s18], [sflag:$0x1] =	stream.indirect.gather [hbm4b:s4+s17], $0x80, s2, s17, $0xb8;
	[tilespmem:$0x16500] =	vst v63  }
0x2e: {  	_ =	swait.ge [sflag:s19], $0x2800  }
0x2f: {  	[sflag:s19] =	ssyncset.done $0x0  }
0x30: {  	[sflag:s19] =	ssyncadd.s32 $0xFFFFD800  }
0x31: {  	[spmem:s1] =	stream.indirect.scatter.add.f32 [tilespmem:s18], [sflag:$0x2], $0x80, s16, s17, $0xb8;
	[tilespmem:$0x16500] =	vst v63  }
0x32: {  	_ =	swait.ge [sflag:s15], $0x2800  }
0x33: {  	s22 =	simm.s32 $0x14;
	s21 =	simm.s32 $0xA;
	[sflag:s15] =	ssyncset.done $0x0  }
.LBB2_3:
0x34: {  	s23 =	sadd.s32 s21, s13  }
0x35: {  	[sflag:s15] =	ssyncadd.s32 $0xFFFFD800;
	s24 =	smov.u32 s22;
	s25 =	sadd.s32 $0xA, s22  }
0x36: {  	[tilespmem:s2], [sflag:$0x2] =	stream.linear.gather [hbm4b:s23+s2], $0x50, $0x38;
	[tilespmem:$0x16500] =	vst v63  }
0x37: {  	p1 =	seq.s32 s22, $0x9BA;
	_ =	swait.ge [sflag:s15], $0x50  }
0x38: {  	[sflag:s15] =	ssyncset.done $0x0  }
0x39: {  	s22 =	sadd.s32 s21, s12;
	s21 =	smov.u32 s24;
	[sflag:s15] =	ssyncadd.s32 $0xFFFFFFB0  }
0x3a: {  	[tilespmem:s16], [sflag:$0x2] =	stream.linear.gather [hbm4b:s22+s2], $0x50, $0x38;
	[tilespmem:$0x16500] =	vst v63  }
0x3b: {  	_ =	swait.ge [sflag:s15], $0x50  }
0x3c: {  	[sflag:s15] =	ssyncset.done $0x0  }
0x3d: {  	[sflag:s15] =	ssyncadd.s32 $0xFFFFFFB0  }
0x3e: {  	[tilespmem:s18], [sflag:$0x1] =	stream.indirect.gather [hbm4b:s4+s17], $0x80, s2, s17, $0xb8;
	[tilespmem:$0x16500] =	vst v63  }
0x3f: {  	_ =	swait.ge [sflag:s19], $0x2800  }
.Ltmp3:
0x40: {  	[sflag:s19] =	ssyncset.done $0x0;
	(pc) =	sbr.rel @!p1 .LBB2_3-.Ltmp3, $4  }
0x41: {  	[sflag:s19] =	ssyncadd.s32 $0xFFFFD800  }
0x42: {  	[spmem:s1] =	stream.indirect.scatter.add.f32 [tilespmem:s18], [sflag:$0x2], $0x80, s16, s17, $0xb8;
	[tilespmem:$0x16500] =	vst v63  }
0x43: {  	_ =	swait.ge [sflag:s15], $0x2800  }
0x44: {  	s22 =	smov.u32 s25;
	[sflag:s15] =	ssyncset.done $0x0  }
0x45: {  	s22 =	sadd.s32 s21, s13;
	[sflag:s15] =	ssyncadd.s32 $0xFFFFD800  }
0x46: {  	[tilespmem:s2], [sflag:$0x2] =	stream.linear.gather [hbm4b:s22+s2], $0x50, $0x38;
	[tilespmem:$0x16500] =	vst v63  }
0x47: {  	_ =	swait.ge [sflag:s15], $0x50  }
0x48: {  	[sflag:s15] =	ssyncset.done $0x0  }
0x49: {  	s31 =	sadd.s32 s21, s12;
	[sflag:s15] =	ssyncadd.s32 $0xFFFFFFB0  }
0x4a: {  	[tilespmem:s16], [sflag:$0x2] =	stream.linear.gather [hbm4b:s31+s2], $0x50, $0x38;
	[tilespmem:$0x16500] =	vst v63  }
0x4b: {  	_ =	swait.ge [sflag:s15], $0x50  }
0x4c: {  	[sflag:s15] =	ssyncset.done $0x0  }
0x4d: {  	[sflag:s15] =	ssyncadd.s32 $0xFFFFFFB0  }
0x4e: {  	[tilespmem:s18], [sflag:$0x1] =	stream.indirect.gather [hbm4b:s4+s17], $0x80, s2, s17, $0xb8;
	[tilespmem:$0x16500] =	vst v63  }
0x4f: {  	_ =	swait.ge [sflag:s19], $0x2800  }
0x50: {  	[sflag:s19] =	ssyncset.done $0x0  }
.Ltmp4:
0x51: {  	[sflag:s19] =	ssyncadd.s32 $0xFFFFD800;
	(pc) =	sbr.rel .LBB2_8-.Ltmp4, $4  }
0x52: {  	[spmem:s1] =	stream.indirect.scatter.add.f32 [tilespmem:s18], [sflag:$0x2], $0x80, s16, s17, $0xb8;
	[tilespmem:$0x16500] =	vst v63  }
0x53: {  	_ =	swait.ge [sflag:s15], $0x2800  }
0x54: {  	[sflag:s15] =	ssyncset.done $0x0  }
0x55: {  	s21 =	smov.u32 s7;
	[sflag:s15] =	ssyncadd.s32 $0xFFFFD800  }
.LBB2_5:
0x56: {  	s21 =	simm.s32 $0x0  }
0x57: {  	[tilespmem:s18], [sflag:$0x2] =	stream.linear.gather [hbm4b:s6+s21], $0x2800, $0x38;
	[tilespmem:$0x16500] =	vst v63  }
0x58: {  	_ =	swait.ge [sflag:s15], $0x2800  }
0x59: {  	[sflag:s15] =	ssyncset.done $0x0  }
0x5a: {  	s31 =	sadd.s32 $0x0, s12;
	[sflag:s15] =	ssyncadd.s32 $0xFFFFD800  }
0x5b: {  	[tilespmem:s16], [sflag:$0x2] =	stream.linear.gather [hbm4b:s31+s2], $0x50, $0x38;
	[tilespmem:$0x16500] =	vst v63  }
0x5c: {  	_ =	swait.ge [sflag:s15], $0x50  }
0x5d: {  	[sflag:s15] =	ssyncset.done $0x0  }
0x5e: {  	[sflag:s15] =	ssyncadd.s32 $0xFFFFFFB0  }
0x5f: {  	[spmem:s1] =	stream.indirect.scatter.add.f32 [tilespmem:s18], [sflag:$0x2], $0x80, s16, s17, $0xb8;
	[tilespmem:$0x16500] =	vst v63  }
0x60: {  	_ =	swait.ge [sflag:s15], $0x2800  }
0x61: {  	s22 =	simm.s32 $0x14;
	s21 =	simm.s32 $0xA;
	[sflag:s15] =	ssyncset.done $0x0  }
.LBB2_6:
0x62: {  	s23 =	sadd.s32 s21, s12  }
0x63: {  	[sflag:s15] =	ssyncadd.s32 $0xFFFFD800;
	s21 =	smov.u32 s22;
	s24 =	sadd.s32 $0xA, s22  }
0x64: {  	[tilespmem:s16], [sflag:$0x2] =	stream.linear.gather [hbm4b:s23+s2], $0x50, $0x38;
	[tilespmem:$0x16500] =	vst v63  }
0x65: {  	p1 =	sne.s32 s22, $0x9BA;
	_ =	swait.ge [sflag:s15], $0x50  }
.Ltmp5:
0x66: {  	[sflag:s15] =	ssyncset.done $0x0;
	(pc) =	sbr.rel @p1 .LBB2_6-.Ltmp5, $4  }
0x67: {  	[sflag:s15] =	ssyncadd.s32 $0xFFFFFFB0  }
0x68: {  	[spmem:s1] =	stream.indirect.scatter.add.f32 [tilespmem:s18], [sflag:$0x2], $0x80, s16, s17, $0xb8;
	[tilespmem:$0x16500] =	vst v63  }
0x69: {  	_ =	swait.ge [sflag:s15], $0x2800  }
0x6a: {  	s22 =	smov.u32 s24;
	[sflag:s15] =	ssyncset.done $0x0  }
.Ltmp6:
0x6b: {  	_ = 	snop;
	(pc) =	sbr.rel .LBB2_7-.Ltmp6, $1  }
0x6c: {  	_ =	sdelay $0x3  }
.LBB2_9:
0x6d: {  	_ =	sfence.sel $0x180000  }
0x6e: {  	[bflag:$0x0] =	sbarrier.arrive $0xFFFF  }
0x6f: {  	p0 =	sne.s32 s3, $0x0;
	_ =	strace $0x90000047  }
0x70: {  	s0 =	sadd.s32 @!p0 $0x100000, s0;
	[bflag:$0x2] =	sbarrier.arrive $0xFFFF  }
0x71: {  	[sflag:s0] =	ssyncadd.tile.s32 @!p0 $0x1;
	_ =	shalt  }
.Lfunc_end2:
_tile_overlayer_lowered:
.L_overlay_start_2:
0x72: {  	(tag) =	ssettag $0x2  }
0x73: {  	s0 =	rddreg [dreg:$0x0];
	s2 =	stileid.u32  }
0x74: {  	s1 =	rddreg [dreg:$0x1];
	p0 =	sne.s32 s2, $0x0  }
0x75: {  	s3 =	rddreg [dreg:$0x2];
	[bflag:$0x3] =	sbarrier.arrive $0xFFFF;
	s2 =	simm.s32 @!p0 $0x1C02  }
0x76: {  	[timem:s3], [sflag:s2] =	dma.local @!p0 [hbm:s0], s1  }
0x77: {  	s0 =	simm.s32 @!p0 $0x2  }
0x78: {  	_ =	swait.ge @!p0 [sflag:s0], s1  }
0x79: {  	s1 =	ssub.s32 @!p0 $0x0, s1;
	[sflag:s0] =	ssyncset.done @!p0 $0x0  }
0x7a: {  	[sflag:s0] =	ssyncadd.s32 @!p0 s1  }
0x7b: {  	[bflag:$0x3] =	sbarrier.arrive $0xFFFF  }
0x7c: {  	_ =	shalt  }

</sc_bundles>
